<compile_context>
chip_gen: v7x
topology: tpu7x:2x2x1
jax: 0.10.2.dev20260603
libtpu: 0.0.44.dev20260713+nightly
codegen_flags: <defaults>
</compile_context>

<pallas_src>
import jax
import jax.numpy as jnp
from jax import lax
from jax.experimental import pallas as pl
from jax.experimental.pallas import tpu as pltpu
from jax.experimental.pallas import tpu_sc as plsc

_GROUPS = 26
_GROUP_W = 128
_BATCH = 16384
_CELLS = _BATCH * _GROUPS
_NW = 32
_CPW = _CELLS // _NW
_VECS = _CPW // 16
_K = 128


def _sc_body(zf_hbm, zd_hbm, out_hbm,
             zd_v, idx_data, idx_zero, idxbuf_d, idxbuf_z,
             dbuf, zbuf, sem_g, sem_s, sem_z):
    wid = lax.axis_index("s") * 2 + lax.axis_index("c")
    base = wid * _CPW

    pltpu.sync_copy(zd_hbm.at[pl.ds(base, _CPW)], zd_v)

    def _zero_row(r, _):
        for k in range(_GROUP_W // 16):
            zbuf[r, pl.ds(k * 16, 16)] = jnp.zeros((16,), jnp.float32)
        return 0
    lax.fori_loop(0, _K, _zero_row, 0)

    lanes = lax.iota(jnp.int32, 16)

    def _compact(l, carry):
        od, oz = carry
        v = zd_v[pl.ds(l * 16, 16)]
        cell = base + l * 16 + lanes
        mask_d = v != jnp.zeros_like(v)
        mask_z = jnp.logical_not(mask_d)
        pos = plsc.cumsum(v) - 1
        cnt = jnp.sum(v)
        posz = lanes - 1 - pos
        plsc.store_scatter(idx_data, [od + pos], cell, mask=mask_d)
        plsc.store_scatter(idx_zero, [oz + posz], cell, mask=mask_z)
        return od + cnt, oz + (16 - cnt)

    od, oz = lax.fori_loop(0, _VECS, _compact, (jnp.int32(0), jnp.int32(0)))

    @pl.when(od > 0)
    def _():
        head = idx_data[pl.ds(0, 16)]
        pad = jnp.broadcast_to(head[0], (16,))
        for k in range(_K // 16):
            plsc.store_scatter(idx_data, [od + k * 16 + lanes], pad)

    @pl.when(oz > 0)
    def _():
        head = idx_zero[pl.ds(0, 16)]
        pad = jnp.broadcast_to(head[0], (16,))
        for k in range(_K // 16):
            plsc.store_scatter(idx_zero, [oz + k * 16 + lanes], pad)

    nd = (od + _K - 1) // _K
    nz = (oz + _K - 1) // _K

    def _copy_chunk(c, _):
        for k in range(_K // 16):
            idxbuf_d[pl.ds(k * 16, 16)] = idx_data[pl.ds(c * _K + k * 16, 16)]
        pltpu.async_copy(zf_hbm.at[idxbuf_d], dbuf, sem_g).wait()
        pltpu.async_copy(dbuf, out_hbm.at[idxbuf_d], sem_s).wait()
        return 0
    lax.fori_loop(0, nd, _copy_chunk, 0)

    def _zero_chunk(c, _):
        for k in range(_K // 16):
            idxbuf_z[pl.ds(k * 16, 16)] = idx_zero[pl.ds(c * _K + k * 16, 16)]
        pltpu.async_copy(zbuf, out_hbm.at[idxbuf_z], sem_z).wait()
        return 0
    lax.fori_loop(0, nz, _zero_chunk, 0)


def kernel(zf, zd):
    zf2 = zf.reshape(_CELLS, _GROUP_W)
    zdf = zd.reshape(_CELLS)
    mesh = plsc.VectorSubcoreMesh(core_axis_name="c", subcore_axis_name="s")
    out = pl.kernel(
        _sc_body,
        out_type=jax.ShapeDtypeStruct((_CELLS, _GROUP_W), jnp.float32),
        mesh=mesh,
        compiler_params=pltpu.CompilerParams(needs_layout_passes=False),
        scratch_types=[
            pltpu.VMEM((_CPW,), jnp.int32),
            pltpu.VMEM((_CPW + _K,), jnp.int32),
            pltpu.VMEM((_CPW + _K,), jnp.int32),
            pltpu.VMEM((_K,), jnp.int32),
            pltpu.VMEM((_K,), jnp.int32),
            pltpu.VMEM((_K, _GROUP_W), jnp.float32),
            pltpu.VMEM((_K, _GROUP_W), jnp.float32),
            pltpu.SemaphoreType.DMA,
            pltpu.SemaphoreType.DMA,
            pltpu.SemaphoreType.DMA,
        ],
    )(zf2, zdf)
    return out.reshape(_BATCH, _GROUPS * _GROUP_W)

# --- scband reference (transcript-rebuilt; emitter-appended) ---
"""Pipeline reference for scband-remove0s-83837761618378 (READ-ONLY COPY).

The authoritative reference and input builder live on the scoring server;
editing this copy changes nothing except your own understanding.
"""

import jax, jax.numpy as jnp
import numpy as np

PARAM_LENGTHS = [128] * 26
TOTAL = sum(PARAM_LENGTHS)
BATCH = 16384


def setup_inputs(seed: int = 0) -> dict:
    key = jax.random.key(seed)
    k1, k2 = jax.random.split(key)
    zf = jax.random.normal(k1, (BATCH, TOTAL), dtype=jnp.float32)
    zd = jax.random.randint(k2, (BATCH, 26), 0, 2, dtype=jnp.int32)
    return {"zf": zf, "zd": zd}


def reference(zf, zd):
    # torch.repeat_interleave(zd == 0, param_lengths, dim=-1)
    repeats = jnp.asarray(PARAM_LENGTHS, dtype=jnp.int32)
    zero_functions = jnp.repeat(zd == 0, repeats, axis=-1, total_repeat_length=TOTAL)
    # zf.data[indices] = 0  -> scatter-overwrite of zeros at masked positions
    out = jnp.where(zero_functions, jnp.zeros((), dtype=zf.dtype), zf)
    return out

if __name__ == "__main__":
    import jax
    _d = setup_inputs()
    print(jax.jit(kernel)(*tuple(_d.values())))

</pallas_src>

<mosaic_0001>
#map = affine_map<(d0, d1) -> (0, 0)>
#map1 = affine_map<(d0, d1) -> (0)>
module attributes {stable_mosaic.version = 14 : i64} {
  func.func @_sc_body(%arg0: i32, %arg1: i32, %arg2: memref<425984x128xf32, #tpu.memory_space<hbm>>, %arg3: memref<425984xi32, #tpu.memory_space<hbm>>, %arg4: memref<425984x128xf32, #tpu.memory_space<hbm>>, %arg5: memref<13312xi32, #tpu.memory_space<vmem>>, %arg6: memref<13440xi32, #tpu.memory_space<vmem>>, %arg7: memref<13440xi32, #tpu.memory_space<vmem>>, %arg8: memref<128xi32, #tpu.memory_space<vmem>>, %arg9: memref<128xi32, #tpu.memory_space<vmem>>, %arg10: memref<128x128xf32, #tpu.memory_space<vmem>>, %arg11: memref<128x128xf32, #tpu.memory_space<vmem>>, %arg12: memref<!tpu.dma_semaphore, #tpu.memory_space<semaphore_mem>>, %arg13: memref<!tpu.dma_semaphore, #tpu.memory_space<semaphore_mem>>, %arg14: memref<!tpu.dma_semaphore, #tpu.memory_space<semaphore_mem>>) attributes {dimension_semantics = [#tpu.dimension_semantics<core_parallel>, #tpu.dimension_semantics<subcore_parallel>], iteration_bounds = array<i64: 2, 16>, scalar_prefetch = 0 : i64, scratch_operands = 10 : i64, tpu.core_type = #tpu.core_type<sc_vector_subcore>, window_params = [{transform_indices = #map}, {transform_indices = #map1}, {transform_indices = #map}]} {
    %mul3A = arith.constant 2 : i32
    %mul3A_0 = arith.muli %arg1, %mul3A : i32
    %add3A = arith.addi %mul3A_0, %arg0 : i32
    %mul3A_1 = arith.constant 13312 : i32
    %mul3A_2 = arith.muli %add3A, %mul3A_1 : i32
    "tpu.region"() ({
      %run_scoped3A = tpu.sem_alloc : memref<!tpu.dma_semaphore, #tpu.memory_space<semaphore_mem>>
      %dma_start3A = tpu.memref_slice %arg3[%mul3A_2] : memref<425984xi32, #tpu.memory_space<hbm>> -> memref<13312xi32, #tpu.memory_space<hbm>>
      %dma_start3A_95 = tpu.memref_slice %arg3[%mul3A_2] : memref<425984xi32, #tpu.memory_space<hbm>> -> memref<13312xi32, #tpu.memory_space<hbm>>
      tpu.enqueue_dma source(%dma_start3A_95 : memref<13312xi32, #tpu.memory_space<hbm>>) target(%arg5 : memref<13312xi32, #tpu.memory_space<vmem>>) target_semaphore(%run_scoped3A : memref<!tpu.dma_semaphore, #tpu.memory_space<semaphore_mem>>)
      %dma_wait3A = tpu.memref_slice %arg3[%mul3A_2] : memref<425984xi32, #tpu.memory_space<hbm>> -> memref<13312xi32, #tpu.memory_space<hbm>>
      %dma_wait3A_96 = tpu.memref_slice %arg3[%mul3A_2] : memref<425984xi32, #tpu.memory_space<hbm>> -> memref<13312xi32, #tpu.memory_space<hbm>>
      tpu.wait_dma2 semaphore(%run_scoped3A : memref<!tpu.dma_semaphore, #tpu.memory_space<semaphore_mem>>) src(%dma_wait3A_96 : memref<13312xi32, #tpu.memory_space<hbm>>) dst(%arg5 : memref<13312xi32, #tpu.memory_space<vmem>>)
      tpu.yield
    }) : () -> ()
    %scan3A = arith.constant 0 : i32
    %scan3A_3 = arith.constant 0 : i32
    %scan3A_4 = arith.constant 128 : i32
    %scan3A_5 = arith.addi %scan3A_3, %scan3A_4 : i32
    %scan3A_6 = arith.constant 1 : i32
    %scan3A_7 = scf.for %scan3A_95 = %scan3A_3 to %scan3A_5 step %scan3A_6 iter_args(%scan3A_96 = %scan3A) -> (i32)  : i32 {
      %broadcast_in_dim3A = arith.constant 0.000000e+00 : f32
      %broadcast_in_dim3A_97 = vector.broadcast %broadcast_in_dim3A : f32 to vector<16xf32>
      %swap3A = arith.index_cast %scan3A_95 : i32 to index
      %swap3A_98 = arith.constant 0 : index
      %swap3A_99 = tpu.vector_load %arg11[%swap3A, %swap3A_98] {strides = array<i32>} : memref<128x128xf32, #tpu.memory_space<vmem>>, vector<16xf32>,
      tpu.vector_store %arg11[%swap3A, %swap3A_98], %broadcast_in_dim3A_97 {strides = array<i32>} : memref<128x128xf32, #tpu.memory_space<vmem>>, vector<16xf32>,
      %broadcast_in_dim3A_100 = arith.constant 0.000000e+00 : f32
      %broadcast_in_dim3A_101 = vector.broadcast %broadcast_in_dim3A_100 : f32 to vector<16xf32>
      %swap3A_102 = arith.index_cast %scan3A_95 : i32 to index
      %swap3A_103 = arith.constant 16 : index
      %swap3A_104 = tpu.vector_load %arg11[%swap3A_102, %swap3A_103] {strides = array<i32>} : memref<128x128xf32, #tpu.memory_space<vmem>>, vector<16xf32>,
      tpu.vector_store %arg11[%swap3A_102, %swap3A_103], %broadcast_in_dim3A_101 {strides = array<i32>} : memref<128x128xf32, #tpu.memory_space<vmem>>, vector<16xf32>,
      %broadcast_in_dim3A_105 = arith.constant 0.000000e+00 : f32
      %broadcast_in_dim3A_106 = vector.broadcast %broadcast_in_dim3A_105 : f32 to vector<16xf32>
      %swap3A_107 = arith.index_cast %scan3A_95 : i32 to index
      %swap3A_108 = arith.constant 32 : index
      %swap3A_109 = tpu.vector_load %arg11[%swap3A_107, %swap3A_108] {strides = array<i32>} : memref<128x128xf32, #tpu.memory_space<vmem>>, vector<16xf32>,
      tpu.vector_store %arg11[%swap3A_107, %swap3A_108], %broadcast_in_dim3A_106 {strides = array<i32>} : memref<128x128xf32, #tpu.memory_space<vmem>>, vector<16xf32>,
      %broadcast_in_dim3A_110 = arith.constant 0.000000e+00 : f32
      %broadcast_in_dim3A_111 = vector.broadcast %broadcast_in_dim3A_110 : f32 to vector<16xf32>
      %swap3A_112 = arith.index_cast %scan3A_95 : i32 to index
      %swap3A_113 = arith.constant 48 : index
      %swap3A_114 = tpu.vector_load %arg11[%swap3A_112, %swap3A_113] {strides = array<i32>} : memref<128x128xf32, #tpu.memory_space<vmem>>, vector<16xf32>,
      tpu.vector_store %arg11[%swap3A_112, %swap3A_113], %broadcast_in_dim3A_111 {strides = array<i32>} : memref<128x128xf32, #tpu.memory_space<vmem>>, vector<16xf32>,
      %broadcast_in_dim3A_115 = arith.constant 0.000000e+00 : f32
      %broadcast_in_dim3A_116 = vector.broadcast %broadcast_in_dim3A_115 : f32 to vector<16xf32>
      %swap3A_117 = arith.index_cast %scan3A_95 : i32 to index
      %swap3A_118 = arith.constant 64 : index
      %swap3A_119 = tpu.vector_load %arg11[%swap3A_117, %swap3A_118] {strides = array<i32>} : memref<128x128xf32, #tpu.memory_space<vmem>>, vector<16xf32>,
      tpu.vector_store %arg11[%swap3A_117, %swap3A_118], %broadcast_in_dim3A_116 {strides = array<i32>} : memref<128x128xf32, #tpu.memory_space<vmem>>, vector<16xf32>,
      %broadcast_in_dim3A_120 = arith.constant 0.000000e+00 : f32
      %broadcast_in_dim3A_121 = vector.broadcast %broadcast_in_dim3A_120 : f32 to vector<16xf32>
      %swap3A_122 = arith.index_cast %scan3A_95 : i32 to index
      %swap3A_123 = arith.constant 80 : index
      %swap3A_124 = tpu.vector_load %arg11[%swap3A_122, %swap3A_123] {strides = array<i32>} : memref<128x128xf32, #tpu.memory_space<vmem>>, vector<16xf32>,
      tpu.vector_store %arg11[%swap3A_122, %swap3A_123], %broadcast_in_dim3A_121 {strides = array<i32>} : memref<128x128xf32, #tpu.memory_space<vmem>>, vector<16xf32>,
      %broadcast_in_dim3A_125 = arith.constant 0.000000e+00 : f32
      %broadcast_in_dim3A_126 = vector.broadcast %broadcast_in_dim3A_125 : f32 to vector<16xf32>
      %swap3A_127 = arith.index_cast %scan3A_95 : i32 to index
      %swap3A_128 = arith.constant 96 : index
      %swap3A_129 = tpu.vector_load %arg11[%swap3A_127, %swap3A_128] {strides = array<i32>} : memref<128x128xf32, #tpu.memory_space<vmem>>, vector<16xf32>,
      tpu.vector_store %arg11[%swap3A_127, %swap3A_128], %broadcast_in_dim3A_126 {strides = array<i32>} : memref<128x128xf32, #tpu.memory_space<vmem>>, vector<16xf32>,
      %broadcast_in_dim3A_130 = arith.constant 0.000000e+00 : f32
      %broadcast_in_dim3A_131 = vector.broadcast %broadcast_in_dim3A_130 : f32 to vector<16xf32>
      %swap3A_132 = arith.index_cast %scan3A_95 : i32 to index
      %swap3A_133 = arith.constant 112 : index
      %swap3A_134 = tpu.vector_load %arg11[%swap3A_132, %swap3A_133] {strides = array<i32>} : memref<128x128xf32, #tpu.memory_space<vmem>>, vector<16xf32>,
      tpu.vector_store %arg11[%swap3A_132, %swap3A_133], %broadcast_in_dim3A_131 {strides = array<i32>} : memref<128x128xf32, #tpu.memory_space<vmem>>, vector<16xf32>,
      %scan3A_135 = arith.constant 0 : i32
      scf.yield %scan3A_135 : i32
    }
    %scan3A_8 = arith.constant 128 : i32
    %iota3A = tpu.iota {dimensions = array<i32: 0>} : vector<16xi32>
    %scan3A_9 = arith.constant 0 : i32
    %scan3A_10 = arith.constant 0 : i32
    %scan3A_11 = arith.constant 0 : i32
    %scan3A_12 = arith.constant 832 : i32
    %scan3A_13 = arith.addi %scan3A_11, %scan3A_12 : i32
    %scan3A_14 = arith.constant 1 : i32
    %scan3A_15:2 = scf.for %scan3A_95 = %scan3A_11 to %scan3A_13 step %scan3A_14 iter_args(%scan3A_96 = %scan3A_9, %scan3A_97 = %scan3A_10) -> (i32, i32)  : i32 {
      %mul3A_98 = arith.constant 16 : i32
      %mul3A_99 = arith.muli %scan3A_95, %mul3A_98 : i32
      %get3A = arith.index_cast %mul3A_99 : i32 to index
      %get3A_100 = tpu.vector_load %arg5[%get3A] {strides = array<i32>} : memref<13312xi32, #tpu.memory_space<vmem>>, vector<16xi32>,
      %mul3A_101 = arith.constant 16 : i32
      %mul3A_102 = arith.muli %scan3A_95, %mul3A_101 : i32
      %add3A_103 = arith.addi %mul3A_2, %mul3A_102 : i32
      %add3A_104 = vector.broadcast %add3A_103 : i32 to vector<16xi32>
      %add3A_105 = arith.addi %add3A_104, %iota3A : vector<16xi32>
      %broadcast_in_dim3A = arith.constant 0 : i32
      %broadcast_in_dim3A_106 = vector.broadcast %broadcast_in_dim3A : i32 to vector<16xi32>
      %ne3A_107 = arith.cmpi ne, %get3A_100, %broadcast_in_dim3A_106 : vector<16xi32>
      %not3A = arith.constant dense<true> : vector<16xi1>
      %not3A_108 = arith.xori %ne3A_107, %not3A : vector<16xi1>
      %broadcast_in_dim3A_109 = arith.constant true
      %broadcast_in_dim3A_110 = vector.broadcast %broadcast_in_dim3A_109 : i1 to vector<16xi1>
      %masked_cumsum3A = tpu.scan <sum>, %get3A_100 masked %broadcast_in_dim3A_110 : vector<16xi32>, vector<16xi1> -> vector<16xi32>
      %sub3A_111 = arith.constant 1 : i32
      %sub3A_112 = vector.broadcast %sub3A_111 : i32 to vector<16xi32>
      %sub3A_113 = arith.subi %masked_cumsum3A, %sub3A_112 : vector<16xi32>
      %reduce_sum3A = arith.constant true
      %reduce_sum3A_114 = vector.broadcast %reduce_sum3A : i1 to vector<16xi1>
      %reduce_sum3A_115 = tpu.scan <sum>, %get3A_100 masked %reduce_sum3A_114 : vector<16xi32>, vector<16xi1> -> vector<16xi32>
      %reduce_sum3A_116 = vector.extract %reduce_sum3A_115[15] : i32 from vector<16xi32>
      %sub3A_117 = arith.constant 1 : i32
      %sub3A_118 = vector.broadcast %sub3A_117 : i32 to vector<16xi32>
      %sub3A_119 = arith.subi %iota3A, %sub3A_118 : vector<16xi32>
      %sub3A_120 = arith.subi %sub3A_119, %sub3A_113 : vector<16xi32>
      %add3A_121 = vector.broadcast %scan3A_96 : i32 to vector<16xi32>
      %add3A_122 = arith.addi %add3A_121, %sub3A_113 : vector<16xi32>
      tpu.vector_store_idx %arg6[%add3A_122], %add3A_105 masked %ne3A_107 : memref<13440xi32, #tpu.memory_space<vmem>>[vector<16xi32>], vector<16xi32>, vector<16xi1>
      %add3A_123 = vector.broadcast %scan3A_97 : i32 to vector<16xi32>
      %add3A_124 = arith.addi %add3A_123, %sub3A_120 : vector<16xi32>
      tpu.vector_store_idx %arg7[%add3A_124], %add3A_105 masked %not3A_108 : memref<13440xi32, #tpu.memory_space<vmem>>[vector<16xi32>], vector<16xi32>, vector<16xi1>
      %add3A_125 = arith.addi %scan3A_96, %reduce_sum3A_116 : i32
      %sub3A_126 = arith.constant 16 : i32
      %sub3A_127 = arith.subi %sub3A_126, %reduce_sum3A_116 : i32
      %add3A_128 = arith.addi %scan3A_97, %sub3A_127 : i32
      scf.yield %add3A_125, %add3A_128 : i32, i32
    }
    %scan3A_16 = arith.constant 832 : i32
    %gt3A = arith.constant 0 : i32
    %gt3A_17 = arith.cmpi sgt, %scan3A_15#0, %gt3A : i32
    %convert_element_type3A = arith.extui %gt3A_17 : i1 to i32
    %cond3A = arith.constant 0 : i32
    %cond3A_18 = arith.cmpi ne, %convert_element_type3A, %cond3A : i32
    scf.if %cond3A_18 {
      %get3A = arith.constant 0 : index
      %get3A_95 = tpu.vector_load %arg6[%get3A] {strides = array<i32>} : memref<13440xi32, #tpu.memory_space<vmem>>, vector<16xi32>,
      %slice3A = vector.extract_strided_slice %get3A_95 {offsets = [0], sizes = [1], strides = [1]} : vector<16xi32> to vector<1xi32>
      %squeeze3A = vector.extract %slice3A[0] : i32 from vector<1xi32>
      %broadcast_in_dim3A = vector.broadcast %squeeze3A : i32 to vector<16xi32>
      %add3A_96 = arith.constant 0 : i32
      %add3A_97 = arith.addi %scan3A_15#0, %add3A_96 : i32
      %add3A_98 = vector.broadcast %add3A_97 : i32 to vector<16xi32>
      %add3A_99 = arith.addi %add3A_98, %iota3A : vector<16xi32>
      tpu.vector_store_idx %arg6[%add3A_99], %broadcast_in_dim3A : memref<13440xi32, #tpu.memory_space<vmem>>[vector<16xi32>], vector<16xi32>,
      %add3A_100 = arith.constant 16 : i32
      %add3A_101 = arith.addi %scan3A_15#0, %add3A_100 : i32
      %add3A_102 = vector.broadcast %add3A_101 : i32 to vector<16xi32>
      %add3A_103 = arith.addi %add3A_102, %iota3A : vector<16xi32>
      tpu.vector_store_idx %arg6[%add3A_103], %broadcast_in_dim3A : memref<13440xi32, #tpu.memory_space<vmem>>[vector<16xi32>], vector<16xi32>,
      %add3A_104 = arith.constant 32 : i32
      %add3A_105 = arith.addi %scan3A_15#0, %add3A_104 : i32
      %add3A_106 = vector.broadcast %add3A_105 : i32 to vector<16xi32>
      %add3A_107 = arith.addi %add3A_106, %iota3A : vector<16xi32>
      tpu.vector_store_idx %arg6[%add3A_107], %broadcast_in_dim3A : memref<13440xi32, #tpu.memory_space<vmem>>[vector<16xi32>], vector<16xi32>,
      %add3A_108 = arith.constant 48 : i32
      %add3A_109 = arith.addi %scan3A_15#0, %add3A_108 : i32
      %add3A_110 = vector.broadcast %add3A_109 : i32 to vector<16xi32>
      %add3A_111 = arith.addi %add3A_110, %iota3A : vector<16xi32>
      tpu.vector_store_idx %arg6[%add3A_111], %broadcast_in_dim3A : memref<13440xi32, #tpu.memory_space<vmem>>[vector<16xi32>], vector<16xi32>,
      %add3A_112 = arith.constant 64 : i32
      %add3A_113 = arith.addi %scan3A_15#0, %add3A_112 : i32
      %add3A_114 = vector.broadcast %add3A_113 : i32 to vector<16xi32>
      %add3A_115 = arith.addi %add3A_114, %iota3A : vector<16xi32>
      tpu.vector_store_idx %arg6[%add3A_115], %broadcast_in_dim3A : memref<13440xi32, #tpu.memory_space<vmem>>[vector<16xi32>], vector<16xi32>,
      %add3A_116 = arith.constant 80 : i32
      %add3A_117 = arith.addi %scan3A_15#0, %add3A_116 : i32
      %add3A_118 = vector.broadcast %add3A_117 : i32 to vector<16xi32>
      %add3A_119 = arith.addi %add3A_118, %iota3A : vector<16xi32>
      tpu.vector_store_idx %arg6[%add3A_119], %broadcast_in_dim3A : memref<13440xi32, #tpu.memory_space<vmem>>[vector<16xi32>], vector<16xi32>,
      %add3A_120 = arith.constant 96 : i32
      %add3A_121 = arith.addi %scan3A_15#0, %add3A_120 : i32
      %add3A_122 = vector.broadcast %add3A_121 : i32 to vector<16xi32>
      %add3A_123 = arith.addi %add3A_122, %iota3A : vector<16xi32>
      tpu.vector_store_idx %arg6[%add3A_123], %broadcast_in_dim3A : memref<13440xi32, #tpu.memory_space<vmem>>[vector<16xi32>], vector<16xi32>,
      %add3A_124 = arith.constant 112 : i32
      %add3A_125 = arith.addi %scan3A_15#0, %add3A_124 : i32
      %add3A_126 = vector.broadcast %add3A_125 : i32 to vector<16xi32>
      %add3A_127 = arith.addi %add3A_126, %iota3A : vector<16xi32>
      tpu.vector_store_idx %arg6[%add3A_127], %broadcast_in_dim3A : memref<13440xi32, #tpu.memory_space<vmem>>[vector<16xi32>], vector<16xi32>,
    } else {
    }
    %gt3A_19 = arith.constant 0 : i32
    %gt3A_20 = arith.cmpi sgt, %scan3A_15#1, %gt3A_19 : i32
    %convert_element_type3A_21 = arith.extui %gt3A_20 : i1 to i32
    %cond3A_22 = arith.constant 0 : i32
    %cond3A_23 = arith.cmpi ne, %convert_element_type3A_21, %cond3A_22 : i32
    scf.if %cond3A_23 {
      %get3A = arith.constant 0 : index
      %get3A_95 = tpu.vector_load %arg7[%get3A] {strides = array<i32>} : memref<13440xi32, #tpu.memory_space<vmem>>, vector<16xi32>,
      %slice3A = vector.extract_strided_slice %get3A_95 {offsets = [0], sizes = [1], strides = [1]} : vector<16xi32> to vector<1xi32>
      %squeeze3A = vector.extract %slice3A[0] : i32 from vector<1xi32>
      %broadcast_in_dim3A = vector.broadcast %squeeze3A : i32 to vector<16xi32>
      %add3A_96 = arith.constant 0 : i32
      %add3A_97 = arith.addi %scan3A_15#1, %add3A_96 : i32
      %add3A_98 = vector.broadcast %add3A_97 : i32 to vector<16xi32>
      %add3A_99 = arith.addi %add3A_98, %iota3A : vector<16xi32>
      tpu.vector_store_idx %arg7[%add3A_99], %broadcast_in_dim3A : memref<13440xi32, #tpu.memory_space<vmem>>[vector<16xi32>], vector<16xi32>,
      %add3A_100 = arith.constant 16 : i32
      %add3A_101 = arith.addi %scan3A_15#1, %add3A_100 : i32
      %add3A_102 = vector.broadcast %add3A_101 : i32 to vector<16xi32>
      %add3A_103 = arith.addi %add3A_102, %iota3A : vector<16xi32>
      tpu.vector_store_idx %arg7[%add3A_103], %broadcast_in_dim3A : memref<13440xi32, #tpu.memory_space<vmem>>[vector<16xi32>], vector<16xi32>,
      %add3A_104 = arith.constant 32 : i32
      %add3A_105 = arith.addi %scan3A_15#1, %add3A_104 : i32
      %add3A_106 = vector.broadcast %add3A_105 : i32 to vector<16xi32>
      %add3A_107 = arith.addi %add3A_106, %iota3A : vector<16xi32>
      tpu.vector_store_idx %arg7[%add3A_107], %broadcast_in_dim3A : memref<13440xi32, #tpu.memory_space<vmem>>[vector<16xi32>], vector<16xi32>,
      %add3A_108 = arith.constant 48 : i32
      %add3A_109 = arith.addi %scan3A_15#1, %add3A_108 : i32
      %add3A_110 = vector.broadcast %add3A_109 : i32 to vector<16xi32>
      %add3A_111 = arith.addi %add3A_110, %iota3A : vector<16xi32>
      tpu.vector_store_idx %arg7[%add3A_111], %broadcast_in_dim3A : memref<13440xi32, #tpu.memory_space<vmem>>[vector<16xi32>], vector<16xi32>,
      %add3A_112 = arith.constant 64 : i32
      %add3A_113 = arith.addi %scan3A_15#1, %add3A_112 : i32
      %add3A_114 = vector.broadcast %add3A_113 : i32 to vector<16xi32>
      %add3A_115 = arith.addi %add3A_114, %iota3A : vector<16xi32>
      tpu.vector_store_idx %arg7[%add3A_115], %broadcast_in_dim3A : memref<13440xi32, #tpu.memory_space<vmem>>[vector<16xi32>], vector<16xi32>,
      %add3A_116 = arith.constant 80 : i32
      %add3A_117 = arith.addi %scan3A_15#1, %add3A_116 : i32
      %add3A_118 = vector.broadcast %add3A_117 : i32 to vector<16xi32>
      %add3A_119 = arith.addi %add3A_118, %iota3A : vector<16xi32>
      tpu.vector_store_idx %arg7[%add3A_119], %broadcast_in_dim3A : memref<13440xi32, #tpu.memory_space<vmem>>[vector<16xi32>], vector<16xi32>,
      %add3A_120 = arith.constant 96 : i32
      %add3A_121 = arith.addi %scan3A_15#1, %add3A_120 : i32
      %add3A_122 = vector.broadcast %add3A_121 : i32 to vector<16xi32>
      %add3A_123 = arith.addi %add3A_122, %iota3A : vector<16xi32>
      tpu.vector_store_idx %arg7[%add3A_123], %broadcast_in_dim3A : memref<13440xi32, #tpu.memory_space<vmem>>[vector<16xi32>], vector<16xi32>,
      %add3A_124 = arith.constant 112 : i32
      %add3A_125 = arith.addi %scan3A_15#1, %add3A_124 : i32
      %add3A_126 = vector.broadcast %add3A_125 : i32 to vector<16xi32>
      %add3A_127 = arith.addi %add3A_126, %iota3A : vector<16xi32>
      tpu.vector_store_idx %arg7[%add3A_127], %broadcast_in_dim3A : memref<13440xi32, #tpu.memory_space<vmem>>[vector<16xi32>], vector<16xi32>,
    } else {
    }
    %add3A_24 = arith.constant 128 : i32
    %add3A_25 = arith.addi %scan3A_15#0, %add3A_24 : i32
    %sub3A = arith.constant 1 : i32
    %sub3A_26 = arith.subi %add3A_25, %sub3A : i32
    %jit3A = arith.constant 128 : i32
    %div3A = arith.divsi %sub3A_26, %jit3A : i32
    %sign3A = arith.constant 0 : i32
    %sign3A_27 = arith.cmpi sgt, %sub3A_26, %sign3A : i32
    %sign3A_28 = arith.extui %sign3A_27 : i1 to i32
    %sign3A_29 = arith.constant 0 : i32
    %sign3A_30 = arith.cmpi slt, %sub3A_26, %sign3A_29 : i32
    %sign3A_31 = arith.extui %sign3A_30 : i1 to i32
    %sign3A_32 = arith.subi %sign3A_28, %sign3A_31 : i32
    %sign3A_33 = arith.constant 0 : i32
    %sign3A_34 = arith.cmpi sgt, %jit3A, %sign3A_33 : i32
    %sign3A_35 = arith.extui %sign3A_34 : i1 to i32
    %sign3A_36 = arith.constant 0 : i32
    %sign3A_37 = arith.cmpi slt, %jit3A, %sign3A_36 : i32
    %sign3A_38 = arith.extui %sign3A_37 : i1 to i32
    %sign3A_39 = arith.subi %sign3A_35, %sign3A_38 : i32
    %ne3A = arith.cmpi ne, %sign3A_32, %sign3A_39 : i32
    %rem3A = arith.remsi %sub3A_26, %jit3A : i32
    %ne3A_40 = arith.constant 0 : i32
    %ne3A_41 = arith.cmpi ne, %rem3A, %ne3A_40 : i32
    %and3A = arith.andi %ne3A, %ne3A_41 : i1
    %sub3A_42 = arith.constant 1 : i32
    %sub3A_43 = arith.subi %div3A, %sub3A_42 : i32
    %select_n3A = arith.select %and3A, %sub3A_43, %div3A : i32
    %add3A_44 = arith.constant 128 : i32
    %add3A_45 = arith.addi %scan3A_15#1, %add3A_44 : i32
    %sub3A_46 = arith.constant 1 : i32
    %sub3A_47 = arith.subi %add3A_45, %sub3A_46 : i32
    %jit3A_48 = arith.constant 128 : i32
    %div3A_49 = arith.divsi %sub3A_47, %jit3A_48 : i32
    %sign3A_50 = arith.constant 0 : i32
    %sign3A_51 = arith.cmpi sgt, %sub3A_47, %sign3A_50 : i32
    %sign3A_52 = arith.extui %sign3A_51 : i1 to i32
    %sign3A_53 = arith.constant 0 : i32
    %sign3A_54 = arith.cmpi slt, %sub3A_47, %sign3A_53 : i32
    %sign3A_55 = arith.extui %sign3A_54 : i1 to i32
    %sign3A_56 = arith.subi %sign3A_52, %sign3A_55 : i32
    %sign3A_57 = arith.constant 0 : i32
    %sign3A_58 = arith.cmpi sgt, %jit3A_48, %sign3A_57 : i32
    %sign3A_59 = arith.extui %sign3A_58 : i1 to i32
    %sign3A_60 = arith.constant 0 : i32
    %sign3A_61 = arith.cmpi slt, %jit3A_48, %sign3A_60 : i32
    %sign3A_62 = arith.extui %sign3A_61 : i1 to i32
    %sign3A_63 = arith.subi %sign3A_59, %sign3A_62 : i32
    %ne3A_64 = arith.cmpi ne, %sign3A_56, %sign3A_63 : i32
    %rem3A_65 = arith.remsi %sub3A_47, %jit3A_48 : i32
    %ne3A_66 = arith.constant 0 : i32
    %ne3A_67 = arith.cmpi ne, %rem3A_65, %ne3A_66 : i32
    %and3A_68 = arith.andi %ne3A_64, %ne3A_67 : i1
    %sub3A_69 = arith.constant 1 : i32
    %sub3A_70 = arith.subi %div3A_49, %sub3A_69 : i32
    %select_n3A_71 = arith.select %and3A_68, %sub3A_70, %div3A_49 : i32
    %while3A = arith.constant 0 : i32
    %while3A_72 = arith.constant 0 : i32
    %while3A_73 = arith.subi %select_n3A, %while3A : i32
    %while3A_74 = arith.addi %while3A, %while3A_73 : i32
    %while3A_75 = arith.constant 1 : i32
    %while3A_76 = arith.divsi %while3A_73, %while3A_75 : i32
    %while3A_77 = arith.muli %while3A_76, %while3A_75 : i32
    %while3A_78 = arith.addi %while3A, %while3A_77 : i32
    %while3A_79 = arith.constant 1 : i32
    %while3A_80 = scf.for %while3A_95 = %while3A to %while3A_78 step %while3A_79 iter_args(%while3A_96 = %while3A_72) -> (i32)  : i32 {
      %mul3A_97 = arith.constant 128 : i32
      %mul3A_98 = arith.muli %while3A_95, %mul3A_97 : i32
      %add3A_99 = arith.constant 0 : i32
      %add3A_100 = arith.addi %mul3A_98, %add3A_99 : i32
      %get3A = arith.index_cast %add3A_100 : i32 to index
      %get3A_101 = tpu.vector_load %arg6[%get3A] {strides = array<i32>} : memref<13440xi32, #tpu.memory_space<vmem>>, vector<16xi32>,
      %swap3A = arith.constant 0 : index
      %swap3A_102 = tpu.vector_load %arg8[%swap3A] {strides = array<i32>} : memref<128xi32, #tpu.memory_space<vmem>>, vector<16xi32>,
      tpu.vector_store %arg8[%swap3A], %get3A_101 {strides = array<i32>} : memref<128xi32, #tpu.memory_space<vmem>>, vector<16xi32>,
      %mul3A_103 = arith.constant 128 : i32
      %mul3A_104 = arith.muli %while3A_95, %mul3A_103 : i32
      %add3A_105 = arith.constant 16 : i32
      %add3A_106 = arith.addi %mul3A_104, %add3A_105 : i32
      %get3A_107 = arith.index_cast %add3A_106 : i32 to index
      %get3A_108 = tpu.vector_load %arg6[%get3A_107] {strides = array<i32>} : memref<13440xi32, #tpu.memory_space<vmem>>, vector<16xi32>,
      %swap3A_109 = arith.constant 16 : index
      %swap3A_110 = tpu.vector_load %arg8[%swap3A_109] {strides = array<i32>} : memref<128xi32, #tpu.memory_space<vmem>>, vector<16xi32>,
      tpu.vector_store %arg8[%swap3A_109], %get3A_108 {strides = array<i32>} : memref<128xi32, #tpu.memory_space<vmem>>, vector<16xi32>,
      %mul3A_111 = arith.constant 128 : i32
      %mul3A_112 = arith.muli %while3A_95, %mul3A_111 : i32
      %add3A_113 = arith.constant 32 : i32
      %add3A_114 = arith.addi %mul3A_112, %add3A_113 : i32
      %get3A_115 = arith.index_cast %add3A_114 : i32 to index
      %get3A_116 = tpu.vector_load %arg6[%get3A_115] {strides = array<i32>} : memref<13440xi32, #tpu.memory_space<vmem>>, vector<16xi32>,
      %swap3A_117 = arith.constant 32 : index
      %swap3A_118 = tpu.vector_load %arg8[%swap3A_117] {strides = array<i32>} : memref<128xi32, #tpu.memory_space<vmem>>, vector<16xi32>,
      tpu.vector_store %arg8[%swap3A_117], %get3A_116 {strides = array<i32>} : memref<128xi32, #tpu.memory_space<vmem>>, vector<16xi32>,
      %mul3A_119 = arith.constant 128 : i32
      %mul3A_120 = arith.muli %while3A_95, %mul3A_119 : i32
      %add3A_121 = arith.constant 48 : i32
      %add3A_122 = arith.addi %mul3A_120, %add3A_121 : i32
      %get3A_123 = arith.index_cast %add3A_122 : i32 to index
      %get3A_124 = tpu.vector_load %arg6[%get3A_123] {strides = array<i32>} : memref<13440xi32, #tpu.memory_space<vmem>>, vector<16xi32>,
      %swap3A_125 = arith.constant 48 : index
      %swap3A_126 = tpu.vector_load %arg8[%swap3A_125] {strides = array<i32>} : memref<128xi32, #tpu.memory_space<vmem>>, vector<16xi32>,
      tpu.vector_store %arg8[%swap3A_125], %get3A_124 {strides = array<i32>} : memref<128xi32, #tpu.memory_space<vmem>>, vector<16xi32>,
      %mul3A_127 = arith.constant 128 : i32
      %mul3A_128 = arith.muli %while3A_95, %mul3A_127 : i32
      %add3A_129 = arith.constant 64 : i32
      %add3A_130 = arith.addi %mul3A_128, %add3A_129 : i32
      %get3A_131 = arith.index_cast %add3A_130 : i32 to index
      %get3A_132 = tpu.vector_load %arg6[%get3A_131] {strides = array<i32>} : memref<13440xi32, #tpu.memory_space<vmem>>, vector<16xi32>,
      %swap3A_133 = arith.constant 64 : index
      %swap3A_134 = tpu.vector_load %arg8[%swap3A_133] {strides = array<i32>} : memref<128xi32, #tpu.memory_space<vmem>>, vector<16xi32>,
      tpu.vector_store %arg8[%swap3A_133], %get3A_132 {strides = array<i32>} : memref<128xi32, #tpu.memory_space<vmem>>, vector<16xi32>,
      %mul3A_135 = arith.constant 128 : i32
      %mul3A_136 = arith.muli %while3A_95, %mul3A_135 : i32
      %add3A_137 = arith.constant 80 : i32
      %add3A_138 = arith.addi %mul3A_136, %add3A_137 : i32
      %get3A_139 = arith.index_cast %add3A_138 : i32 to index
      %get3A_140 = tpu.vector_load %arg6[%get3A_139] {strides = array<i32>} : memref<13440xi32, #tpu.memory_space<vmem>>, vector<16xi32>,
      %swap3A_141 = arith.constant 80 : index
      %swap3A_142 = tpu.vector_load %arg8[%swap3A_141] {strides = array<i32>} : memref<128xi32, #tpu.memory_space<vmem>>, vector<16xi32>,
      tpu.vector_store %arg8[%swap3A_141], %get3A_140 {strides = array<i32>} : memref<128xi32, #tpu.memory_space<vmem>>, vector<16xi32>,
      %mul3A_143 = arith.constant 128 : i32
      %mul3A_144 = arith.muli %while3A_95, %mul3A_143 : i32
      %add3A_145 = arith.constant 96 : i32
      %add3A_146 = arith.addi %mul3A_144, %add3A_145 : i32
      %get3A_147 = arith.index_cast %add3A_146 : i32 to index
      %get3A_148 = tpu.vector_load %arg6[%get3A_147] {strides = array<i32>} : memref<13440xi32, #tpu.memory_space<vmem>>, vector<16xi32>,
      %swap3A_149 = arith.constant 96 : index
      %swap3A_150 = tpu.vector_load %arg8[%swap3A_149] {strides = array<i32>} : memref<128xi32, #tpu.memory_space<vmem>>, vector<16xi32>,
      tpu.vector_store %arg8[%swap3A_149], %get3A_148 {strides = array<i32>} : memref<128xi32, #tpu.memory_space<vmem>>, vector<16xi32>,
      %mul3A_151 = arith.constant 128 : i32
      %mul3A_152 = arith.muli %while3A_95, %mul3A_151 : i32
      %add3A_153 = arith.constant 112 : i32
      %add3A_154 = arith.addi %mul3A_152, %add3A_153 : i32
      %get3A_155 = arith.index_cast %add3A_154 : i32 to index
      %get3A_156 = tpu.vector_load %arg6[%get3A_155] {strides = array<i32>} : memref<13440xi32, #tpu.memory_space<vmem>>, vector<16xi32>,
      %swap3A_157 = arith.constant 112 : index
      %swap3A_158 = tpu.vector_load %arg8[%swap3A_157] {strides = array<i32>} : memref<128xi32, #tpu.memory_space<vmem>>, vector<16xi32>,
      tpu.vector_store %arg8[%swap3A_157], %get3A_156 {strides = array<i32>} : memref<128xi32, #tpu.memory_space<vmem>>, vector<16xi32>,
      %dma_start3A = arith.constant 0 : i32
      %dma_start3A_159 = arith.constant 0 : i32
      %dma_start3A_160 = tpu.memref_slice %arg2[%dma_start3A, %dma_start3A_159] : memref<425984x128xf32, #tpu.memory_space<hbm>> -> memref<425984x128xf32, #tpu.memory_space<hbm>>
      tpu.enqueue_indirect_dma source(%dma_start3A_160 : memref<425984x128xf32, #tpu.memory_space<hbm>>) target(%arg10 : memref<128x128xf32, #tpu.memory_space<vmem>>) offsets(%arg8 : memref<128xi32, #tpu.memory_space<vmem>>) semaphore(%arg12 : memref<!tpu.dma_semaphore, #tpu.memory_space<semaphore_mem>>)
      %dma_wait3A = arith.constant 0 : i32
      %dma_wait3A_161 = arith.constant 0 : i32
      %dma_wait3A_162 = tpu.memref_slice %arg2[%dma_wait3A, %dma_wait3A_161] : memref<425984x128xf32, #tpu.memory_space<hbm>> -> memref<425984x128xf32, #tpu.memory_space<hbm>>
      tpu.wait_indirect_dma semaphore(%arg12 : memref<!tpu.dma_semaphore, #tpu.memory_space<semaphore_mem>>) src(%dma_wait3A_162 : memref<425984x128xf32, #tpu.memory_space<hbm>>) dst(%arg10 : memref<128x128xf32, #tpu.memory_space<vmem>>)
      %dma_start3A_163 = arith.constant 0 : i32
      %dma_start3A_164 = arith.constant 0 : i32
      %dma_start3A_165 = tpu.memref_slice %arg4[%dma_start3A_163, %dma_start3A_164] : memref<425984x128xf32, #tpu.memory_space<hbm>> -> memref<425984x128xf32, #tpu.memory_space<hbm>>
      tpu.enqueue_indirect_dma source(%arg10 : memref<128x128xf32, #tpu.memory_space<vmem>>) target(%dma_start3A_165 : memref<425984x128xf32, #tpu.memory_space<hbm>>) offsets(%arg8 : memref<128xi32, #tpu.memory_space<vmem>>) semaphore(%arg13 : memref<!tpu.dma_semaphore, #tpu.memory_space<semaphore_mem>>)
      %dma_wait3A_166 = arith.constant 0 : i32
      %dma_wait3A_167 = arith.constant 0 : i32
      %dma_wait3A_168 = tpu.memref_slice %arg4[%dma_wait3A_166, %dma_wait3A_167] : memref<425984x128xf32, #tpu.memory_space<hbm>> -> memref<425984x128xf32, #tpu.memory_space<hbm>>
      tpu.wait_indirect_dma semaphore(%arg13 : memref<!tpu.dma_semaphore, #tpu.memory_space<semaphore_mem>>) src(%arg10 : memref<128x128xf32, #tpu.memory_space<vmem>>) dst(%dma_wait3A_168 : memref<425984x128xf32, #tpu.memory_space<hbm>>)
      %while3A_169 = arith.constant 0 : i32
      scf.yield %while3A_169 : i32
    }
    %while3A_81 = arith.constant 1 : i32
    %while3A_82 = scf.for %while3A_95 = %while3A_78 to %while3A_74 step %while3A_81 iter_args(%while3A_96 = %while3A_80) -> (i32)  : i32 {
      %mul3A_97 = arith.constant 128 : i32
      %mul3A_98 = arith.muli %while3A_95, %mul3A_97 : i32
      %add3A_99 = arith.constant 0 : i32
      %add3A_100 = arith.addi %mul3A_98, %add3A_99 : i32
      %get3A = arith.index_cast %add3A_100 : i32 to index
      %get3A_101 = tpu.vector_load %arg6[%get3A] {strides = array<i32>} : memref<13440xi32, #tpu.memory_space<vmem>>, vector<16xi32>,
      %swap3A = arith.constant 0 : index
      %swap3A_102 = tpu.vector_load %arg8[%swap3A] {strides = array<i32>} : memref<128xi32, #tpu.memory_space<vmem>>, vector<16xi32>,
      tpu.vector_store %arg8[%swap3A], %get3A_101 {strides = array<i32>} : memref<128xi32, #tpu.memory_space<vmem>>, vector<16xi32>,
      %mul3A_103 = arith.constant 128 : i32
      %mul3A_104 = arith.muli %while3A_95, %mul3A_103 : i32
      %add3A_105 = arith.constant 16 : i32
      %add3A_106 = arith.addi %mul3A_104, %add3A_105 : i32
      %get3A_107 = arith.index_cast %add3A_106 : i32 to index
      %get3A_108 = tpu.vector_load %arg6[%get3A_107] {strides = array<i32>} : memref<13440xi32, #tpu.memory_space<vmem>>, vector<16xi32>,
      %swap3A_109 = arith.constant 16 : index
      %swap3A_110 = tpu.vector_load %arg8[%swap3A_109] {strides = array<i32>} : memref<128xi32, #tpu.memory_space<vmem>>, vector<16xi32>,
      tpu.vector_store %arg8[%swap3A_109], %get3A_108 {strides = array<i32>} : memref<128xi32, #tpu.memory_space<vmem>>, vector<16xi32>,
      %mul3A_111 = arith.constant 128 : i32
      %mul3A_112 = arith.muli %while3A_95, %mul3A_111 : i32
      %add3A_113 = arith.constant 32 : i32
      %add3A_114 = arith.addi %mul3A_112, %add3A_113 : i32
      %get3A_115 = arith.index_cast %add3A_114 : i32 to index
      %get3A_116 = tpu.vector_load %arg6[%get3A_115] {strides = array<i32>} : memref<13440xi32, #tpu.memory_space<vmem>>, vector<16xi32>,
      %swap3A_117 = arith.constant 32 : index
      %swap3A_118 = tpu.vector_load %arg8[%swap3A_117] {strides = array<i32>} : memref<128xi32, #tpu.memory_space<vmem>>, vector<16xi32>,
      tpu.vector_store %arg8[%swap3A_117], %get3A_116 {strides = array<i32>} : memref<128xi32, #tpu.memory_space<vmem>>, vector<16xi32>,
      %mul3A_119 = arith.constant 128 : i32
      %mul3A_120 = arith.muli %while3A_95, %mul3A_119 : i32
      %add3A_121 = arith.constant 48 : i32
      %add3A_122 = arith.addi %mul3A_120, %add3A_121 : i32
      %get3A_123 = arith.index_cast %add3A_122 : i32 to index
      %get3A_124 = tpu.vector_load %arg6[%get3A_123] {strides = array<i32>} : memref<13440xi32, #tpu.memory_space<vmem>>, vector<16xi32>,
      %swap3A_125 = arith.constant 48 : index
      %swap3A_126 = tpu.vector_load %arg8[%swap3A_125] {strides = array<i32>} : memref<128xi32, #tpu.memory_space<vmem>>, vector<16xi32>,
      tpu.vector_store %arg8[%swap3A_125], %get3A_124 {strides = array<i32>} : memref<128xi32, #tpu.memory_space<vmem>>, vector<16xi32>,
      %mul3A_127 = arith.constant 128 : i32
      %mul3A_128 = arith.muli %while3A_95, %mul3A_127 : i32
      %add3A_129 = arith.constant 64 : i32
      %add3A_130 = arith.addi %mul3A_128, %add3A_129 : i32
      %get3A_131 = arith.index_cast %add3A_130 : i32 to index
      %get3A_132 = tpu.vector_load %arg6[%get3A_131] {strides = array<i32>} : memref<13440xi32, #tpu.memory_space<vmem>>, vector<16xi32>,
      %swap3A_133 = arith.constant 64 : index
      %swap3A_134 = tpu.vector_load %arg8[%swap3A_133] {strides = array<i32>} : memref<128xi32, #tpu.memory_space<vmem>>, vector<16xi32>,
      tpu.vector_store %arg8[%swap3A_133], %get3A_132 {strides = array<i32>} : memref<128xi32, #tpu.memory_space<vmem>>, vector<16xi32>,
      %mul3A_135 = arith.constant 128 : i32
      %mul3A_136 = arith.muli %while3A_95, %mul3A_135 : i32
      %add3A_137 = arith.constant 80 : i32
      %add3A_138 = arith.addi %mul3A_136, %add3A_137 : i32
      %get3A_139 = arith.index_cast %add3A_138 : i32 to index
      %get3A_140 = tpu.vector_load %arg6[%get3A_139] {strides = array<i32>} : memref<13440xi32, #tpu.memory_space<vmem>>, vector<16xi32>,
      %swap3A_141 = arith.constant 80 : index
      %swap3A_142 = tpu.vector_load %arg8[%swap3A_141] {strides = array<i32>} : memref<128xi32, #tpu.memory_space<vmem>>, vector<16xi32>,
      tpu.vector_store %arg8[%swap3A_141], %get3A_140 {strides = array<i32>} : memref<128xi32, #tpu.memory_space<vmem>>, vector<16xi32>,
      %mul3A_143 = arith.constant 128 : i32
      %mul3A_144 = arith.muli %while3A_95, %mul3A_143 : i32
      %add3A_145 = arith.constant 96 : i32
      %add3A_146 = arith.addi %mul3A_144, %add3A_145 : i32
      %get3A_147 = arith.index_cast %add3A_146 : i32 to index
      %get3A_148 = tpu.vector_load %arg6[%get3A_147] {strides = array<i32>} : memref<13440xi32, #tpu.memory_space<vmem>>, vector<16xi32>,
      %swap3A_149 = arith.constant 96 : index
      %swap3A_150 = tpu.vector_load %arg8[%swap3A_149] {strides = array<i32>} : memref<128xi32, #tpu.memory_space<vmem>>, vector<16xi32>,
      tpu.vector_store %arg8[%swap3A_149], %get3A_148 {strides = array<i32>} : memref<128xi32, #tpu.memory_space<vmem>>, vector<16xi32>,
      %mul3A_151 = arith.constant 128 : i32
      %mul3A_152 = arith.muli %while3A_95, %mul3A_151 : i32
      %add3A_153 = arith.constant 112 : i32
      %add3A_154 = arith.addi %mul3A_152, %add3A_153 : i32
      %get3A_155 = arith.index_cast %add3A_154 : i32 to index
      %get3A_156 = tpu.vector_load %arg6[%get3A_155] {strides = array<i32>} : memref<13440xi32, #tpu.memory_space<vmem>>, vector<16xi32>,
      %swap3A_157 = arith.constant 112 : index
      %swap3A_158 = tpu.vector_load %arg8[%swap3A_157] {strides = array<i32>} : memref<128xi32, #tpu.memory_space<vmem>>, vector<16xi32>,
      tpu.vector_store %arg8[%swap3A_157], %get3A_156 {strides = array<i32>} : memref<128xi32, #tpu.memory_space<vmem>>, vector<16xi32>,
      %dma_start3A = arith.constant 0 : i32
      %dma_start3A_159 = arith.constant 0 : i32
      %dma_start3A_160 = tpu.memref_slice %arg2[%dma_start3A, %dma_start3A_159] : memref<425984x128xf32, #tpu.memory_space<hbm>> -> memref<425984x128xf32, #tpu.memory_space<hbm>>
      tpu.enqueue_indirect_dma source(%dma_start3A_160 : memref<425984x128xf32, #tpu.memory_space<hbm>>) target(%arg10 : memref<128x128xf32, #tpu.memory_space<vmem>>) offsets(%arg8 : memref<128xi32, #tpu.memory_space<vmem>>) semaphore(%arg12 : memref<!tpu.dma_semaphore, #tpu.memory_space<semaphore_mem>>)
      %dma_wait3A = arith.constant 0 : i32
      %dma_wait3A_161 = arith.constant 0 : i32
      %dma_wait3A_162 = tpu.memref_slice %arg2[%dma_wait3A, %dma_wait3A_161] : memref<425984x128xf32, #tpu.memory_space<hbm>> -> memref<425984x128xf32, #tpu.memory_space<hbm>>
      tpu.wait_indirect_dma semaphore(%arg12 : memref<!tpu.dma_semaphore, #tpu.memory_space<semaphore_mem>>) src(%dma_wait3A_162 : memref<425984x128xf32, #tpu.memory_space<hbm>>) dst(%arg10 : memref<128x128xf32, #tpu.memory_space<vmem>>)
      %dma_start3A_163 = arith.constant 0 : i32
      %dma_start3A_164 = arith.constant 0 : i32
      %dma_start3A_165 = tpu.memref_slice %arg4[%dma_start3A_163, %dma_start3A_164] : memref<425984x128xf32, #tpu.memory_space<hbm>> -> memref<425984x128xf32, #tpu.memory_space<hbm>>
      tpu.enqueue_indirect_dma source(%arg10 : memref<128x128xf32, #tpu.memory_space<vmem>>) target(%dma_start3A_165 : memref<425984x128xf32, #tpu.memory_space<hbm>>) offsets(%arg8 : memref<128xi32, #tpu.memory_space<vmem>>) semaphore(%arg13 : memref<!tpu.dma_semaphore, #tpu.memory_space<semaphore_mem>>)
      %dma_wait3A_166 = arith.constant 0 : i32
      %dma_wait3A_167 = arith.constant 0 : i32
      %dma_wait3A_168 = tpu.memref_slice %arg4[%dma_wait3A_166, %dma_wait3A_167] : memref<425984x128xf32, #tpu.memory_space<hbm>> -> memref<425984x128xf32, #tpu.memory_space<hbm>>
      tpu.wait_indirect_dma semaphore(%arg13 : memref<!tpu.dma_semaphore, #tpu.memory_space<semaphore_mem>>) src(%arg10 : memref<128x128xf32, #tpu.memory_space<vmem>>) dst(%dma_wait3A_168 : memref<425984x128xf32, #tpu.memory_space<hbm>>)
      %while3A_169 = arith.constant 0 : i32
      scf.yield %while3A_169 : i32
    }
    %while3A_83 = arith.constant 0 : i32
    %while3A_84 = arith.constant 0 : i32
    %while3A_85 = arith.subi %select_n3A_71, %while3A_83 : i32
    %while3A_86 = arith.addi %while3A_83, %while3A_85 : i32
    %while3A_87 = arith.constant 1 : i32
    %while3A_88 = arith.divsi %while3A_85, %while3A_87 : i32
    %while3A_89 = arith.muli %while3A_88, %while3A_87 : i32
    %while3A_90 = arith.addi %while3A_83, %while3A_89 : i32
    %while3A_91 = arith.constant 1 : i32
    %while3A_92 = scf.for %while3A_95 = %while3A_83 to %while3A_90 step %while3A_91 iter_args(%while3A_96 = %while3A_84) -> (i32)  : i32 {
      %mul3A_97 = arith.constant 128 : i32
      %mul3A_98 = arith.muli %while3A_95, %mul3A_97 : i32
      %add3A_99 = arith.constant 0 : i32
      %add3A_100 = arith.addi %mul3A_98, %add3A_99 : i32
      %get3A = arith.index_cast %add3A_100 : i32 to index
      %get3A_101 = tpu.vector_load %arg7[%get3A] {strides = array<i32>} : memref<13440xi32, #tpu.memory_space<vmem>>, vector<16xi32>,
      %swap3A = arith.constant 0 : index
      %swap3A_102 = tpu.vector_load %arg9[%swap3A] {strides = array<i32>} : memref<128xi32, #tpu.memory_space<vmem>>, vector<16xi32>,
      tpu.vector_store %arg9[%swap3A], %get3A_101 {strides = array<i32>} : memref<128xi32, #tpu.memory_space<vmem>>, vector<16xi32>,
      %mul3A_103 = arith.constant 128 : i32
      %mul3A_104 = arith.muli %while3A_95, %mul3A_103 : i32
      %add3A_105 = arith.constant 16 : i32
      %add3A_106 = arith.addi %mul3A_104, %add3A_105 : i32
      %get3A_107 = arith.index_cast %add3A_106 : i32 to index
      %get3A_108 = tpu.vector_load %arg7[%get3A_107] {strides = array<i32>} : memref<13440xi32, #tpu.memory_space<vmem>>, vector<16xi32>,
      %swap3A_109 = arith.constant 16 : index
      %swap3A_110 = tpu.vector_load %arg9[%swap3A_109] {strides = array<i32>} : memref<128xi32, #tpu.memory_space<vmem>>, vector<16xi32>,
      tpu.vector_store %arg9[%swap3A_109], %get3A_108 {strides = array<i32>} : memref<128xi32, #tpu.memory_space<vmem>>, vector<16xi32>,
      %mul3A_111 = arith.constant 128 : i32
      %mul3A_112 = arith.muli %while3A_95, %mul3A_111 : i32
      %add3A_113 = arith.constant 32 : i32
      %add3A_114 = arith.addi %mul3A_112, %add3A_113 : i32
      %get3A_115 = arith.index_cast %add3A_114 : i32 to index
      %get3A_116 = tpu.vector_load %arg7[%get3A_115] {strides = array<i32>} : memref<13440xi32, #tpu.memory_space<vmem>>, vector<16xi32>,
      %swap3A_117 = arith.constant 32 : index
      %swap3A_118 = tpu.vector_load %arg9[%swap3A_117] {strides = array<i32>} : memref<128xi32, #tpu.memory_space<vmem>>, vector<16xi32>,
      tpu.vector_store %arg9[%swap3A_117], %get3A_116 {strides = array<i32>} : memref<128xi32, #tpu.memory_space<vmem>>, vector<16xi32>,
      %mul3A_119 = arith.constant 128 : i32
      %mul3A_120 = arith.muli %while3A_95, %mul3A_119 : i32
      %add3A_121 = arith.constant 48 : i32
      %add3A_122 = arith.addi %mul3A_120, %add3A_121 : i32
      %get3A_123 = arith.index_cast %add3A_122 : i32 to index
      %get3A_124 = tpu.vector_load %arg7[%get3A_123] {strides = array<i32>} : memref<13440xi32, #tpu.memory_space<vmem>>, vector<16xi32>,
      %swap3A_125 = arith.constant 48 : index
      %swap3A_126 = tpu.vector_load %arg9[%swap3A_125] {strides = array<i32>} : memref<128xi32, #tpu.memory_space<vmem>>, vector<16xi32>,
      tpu.vector_store %arg9[%swap3A_125], %get3A_124 {strides = array<i32>} : memref<128xi32, #tpu.memory_space<vmem>>, vector<16xi32>,
      %mul3A_127 = arith.constant 128 : i32
      %mul3A_128 = arith.muli %while3A_95, %mul3A_127 : i32
      %add3A_129 = arith.constant 64 : i32
      %add3A_130 = arith.addi %mul3A_128, %add3A_129 : i32
      %get3A_131 = arith.index_cast %add3A_130 : i32 to index
      %get3A_132 = tpu.vector_load %arg7[%get3A_131] {strides = array<i32>} : memref<13440xi32, #tpu.memory_space<vmem>>, vector<16xi32>,
      %swap3A_133 = arith.constant 64 : index
      %swap3A_134 = tpu.vector_load %arg9[%swap3A_133] {strides = array<i32>} : memref<128xi32, #tpu.memory_space<vmem>>, vector<16xi32>,
      tpu.vector_store %arg9[%swap3A_133], %get3A_132 {strides = array<i32>} : memref<128xi32, #tpu.memory_space<vmem>>, vector<16xi32>,
      %mul3A_135 = arith.constant 128 : i32
      %mul3A_136 = arith.muli %while3A_95, %mul3A_135 : i32
      %add3A_137 = arith.constant 80 : i32
      %add3A_138 = arith.addi %mul3A_136, %add3A_137 : i32
      %get3A_139 = arith.index_cast %add3A_138 : i32 to index
      %get3A_140 = tpu.vector_load %arg7[%get3A_139] {strides = array<i32>} : memref<13440xi32, #tpu.memory_space<vmem>>, vector<16xi32>,
      %swap3A_141 = arith.constant 80 : index
      %swap3A_142 = tpu.vector_load %arg9[%swap3A_141] {strides = array<i32>} : memref<128xi32, #tpu.memory_space<vmem>>, vector<16xi32>,
      tpu.vector_store %arg9[%swap3A_141], %get3A_140 {strides = array<i32>} : memref<128xi32, #tpu.memory_space<vmem>>, vector<16xi32>,
      %mul3A_143 = arith.constant 128 : i32
      %mul3A_144 = arith.muli %while3A_95, %mul3A_143 : i32
      %add3A_145 = arith.constant 96 : i32
      %add3A_146 = arith.addi %mul3A_144, %add3A_145 : i32
      %get3A_147 = arith.index_cast %add3A_146 : i32 to index
      %get3A_148 = tpu.vector_load %arg7[%get3A_147] {strides = array<i32>} : memref<13440xi32, #tpu.memory_space<vmem>>, vector<16xi32>,
      %swap3A_149 = arith.constant 96 : index
      %swap3A_150 = tpu.vector_load %arg9[%swap3A_149] {strides = array<i32>} : memref<128xi32, #tpu.memory_space<vmem>>, vector<16xi32>,
      tpu.vector_store %arg9[%swap3A_149], %get3A_148 {strides = array<i32>} : memref<128xi32, #tpu.memory_space<vmem>>, vector<16xi32>,
      %mul3A_151 = arith.constant 128 : i32
      %mul3A_152 = arith.muli %while3A_95, %mul3A_151 : i32
      %add3A_153 = arith.constant 112 : i32
      %add3A_154 = arith.addi %mul3A_152, %add3A_153 : i32
      %get3A_155 = arith.index_cast %add3A_154 : i32 to index
      %get3A_156 = tpu.vector_load %arg7[%get3A_155] {strides = array<i32>} : memref<13440xi32, #tpu.memory_space<vmem>>, vector<16xi32>,
      %swap3A_157 = arith.constant 112 : index
      %swap3A_158 = tpu.vector_load %arg9[%swap3A_157] {strides = array<i32>} : memref<128xi32, #tpu.memory_space<vmem>>, vector<16xi32>,
      tpu.vector_store %arg9[%swap3A_157], %get3A_156 {strides = array<i32>} : memref<128xi32, #tpu.memory_space<vmem>>, vector<16xi32>,
      %dma_start3A = arith.constant 0 : i32
      %dma_start3A_159 = arith.constant 0 : i32
      %dma_start3A_160 = tpu.memref_slice %arg4[%dma_start3A, %dma_start3A_159] : memref<425984x128xf32, #tpu.memory_space<hbm>> -> memref<425984x128xf32, #tpu.memory_space<hbm>>
      tpu.enqueue_indirect_dma source(%arg11 : memref<128x128xf32, #tpu.memory_space<vmem>>) target(%dma_start3A_160 : memref<425984x128xf32, #tpu.memory_space<hbm>>) offsets(%arg9 : memref<128xi32, #tpu.memory_space<vmem>>) semaphore(%arg14 : memref<!tpu.dma_semaphore, #tpu.memory_space<semaphore_mem>>)
      %dma_wait3A = arith.constant 0 : i32
      %dma_wait3A_161 = arith.constant 0 : i32
      %dma_wait3A_162 = tpu.memref_slice %arg4[%dma_wait3A, %dma_wait3A_161] : memref<425984x128xf32, #tpu.memory_space<hbm>> -> memref<425984x128xf32, #tpu.memory_space<hbm>>
      tpu.wait_indirect_dma semaphore(%arg14 : memref<!tpu.dma_semaphore, #tpu.memory_space<semaphore_mem>>) src(%arg11 : memref<128x128xf32, #tpu.memory_space<vmem>>) dst(%dma_wait3A_162 : memref<425984x128xf32, #tpu.memory_space<hbm>>)
      %while3A_163 = arith.constant 0 : i32
      scf.yield %while3A_163 : i32
    }
    %while3A_93 = arith.constant 1 : i32
    %while3A_94 = scf.for %while3A_95 = %while3A_90 to %while3A_86 step %while3A_93 iter_args(%while3A_96 = %while3A_92) -> (i32)  : i32 {
      %mul3A_97 = arith.constant 128 : i32
      %mul3A_98 = arith.muli %while3A_95, %mul3A_97 : i32
      %add3A_99 = arith.constant 0 : i32
      %add3A_100 = arith.addi %mul3A_98, %add3A_99 : i32
      %get3A = arith.index_cast %add3A_100 : i32 to index
      %get3A_101 = tpu.vector_load %arg7[%get3A] {strides = array<i32>} : memref<13440xi32, #tpu.memory_space<vmem>>, vector<16xi32>,
      %swap3A = arith.constant 0 : index
      %swap3A_102 = tpu.vector_load %arg9[%swap3A] {strides = array<i32>} : memref<128xi32, #tpu.memory_space<vmem>>, vector<16xi32>,
      tpu.vector_store %arg9[%swap3A], %get3A_101 {strides = array<i32>} : memref<128xi32, #tpu.memory_space<vmem>>, vector<16xi32>,
      %mul3A_103 = arith.constant 128 : i32
      %mul3A_104 = arith.muli %while3A_95, %mul3A_103 : i32
      %add3A_105 = arith.constant 16 : i32
      %add3A_106 = arith.addi %mul3A_104, %add3A_105 : i32
      %get3A_107 = arith.index_cast %add3A_106 : i32 to index
      %get3A_108 = tpu.vector_load %arg7[%get3A_107] {strides = array<i32>} : memref<13440xi32, #tpu.memory_space<vmem>>, vector<16xi32>,
      %swap3A_109 = arith.constant 16 : index
      %swap3A_110 = tpu.vector_load %arg9[%swap3A_109] {strides = array<i32>} : memref<128xi32, #tpu.memory_space<vmem>>, vector<16xi32>,
      tpu.vector_store %arg9[%swap3A_109], %get3A_108 {strides = array<i32>} : memref<128xi32, #tpu.memory_space<vmem>>, vector<16xi32>,
      %mul3A_111 = arith.constant 128 : i32
      %mul3A_112 = arith.muli %while3A_95, %mul3A_111 : i32
      %add3A_113 = arith.constant 32 : i32
      %add3A_114 = arith.addi %mul3A_112, %add3A_113 : i32
      %get3A_115 = arith.index_cast %add3A_114 : i32 to index
      %get3A_116 = tpu.vector_load %arg7[%get3A_115] {strides = array<i32>} : memref<13440xi32, #tpu.memory_space<vmem>>, vector<16xi32>,
      %swap3A_117 = arith.constant 32 : index
      %swap3A_118 = tpu.vector_load %arg9[%swap3A_117] {strides = array<i32>} : memref<128xi32, #tpu.memory_space<vmem>>, vector<16xi32>,
      tpu.vector_store %arg9[%swap3A_117], %get3A_116 {strides = array<i32>} : memref<128xi32, #tpu.memory_space<vmem>>, vector<16xi32>,
      %mul3A_119 = arith.constant 128 : i32
      %mul3A_120 = arith.muli %while3A_95, %mul3A_119 : i32
      %add3A_121 = arith.constant 48 : i32
      %add3A_122 = arith.addi %mul3A_120, %add3A_121 : i32
      %get3A_123 = arith.index_cast %add3A_122 : i32 to index
      %get3A_124 = tpu.vector_load %arg7[%get3A_123] {strides = array<i32>} : memref<13440xi32, #tpu.memory_space<vmem>>, vector<16xi32>,
      %swap3A_125 = arith.constant 48 : index
      %swap3A_126 = tpu.vector_load %arg9[%swap3A_125] {strides = array<i32>} : memref<128xi32, #tpu.memory_space<vmem>>, vector<16xi32>,
      tpu.vector_store %arg9[%swap3A_125], %get3A_124 {strides = array<i32>} : memref<128xi32, #tpu.memory_space<vmem>>, vector<16xi32>,
      %mul3A_127 = arith.constant 128 : i32
      %mul3A_128 = arith.muli %while3A_95, %mul3A_127 : i32
      %add3A_129 = arith.constant 64 : i32
      %add3A_130 = arith.addi %mul3A_128, %add3A_129 : i32
      %get3A_131 = arith.index_cast %add3A_130 : i32 to index
      %get3A_132 = tpu.vector_load %arg7[%get3A_131] {strides = array<i32>} : memref<13440xi32, #tpu.memory_space<vmem>>, vector<16xi32>,
      %swap3A_133 = arith.constant 64 : index
      %swap3A_134 = tpu.vector_load %arg9[%swap3A_133] {strides = array<i32>} : memref<128xi32, #tpu.memory_space<vmem>>, vector<16xi32>,
      tpu.vector_store %arg9[%swap3A_133], %get3A_132 {strides = array<i32>} : memref<128xi32, #tpu.memory_space<vmem>>, vector<16xi32>,
      %mul3A_135 = arith.constant 128 : i32
      %mul3A_136 = arith.muli %while3A_95, %mul3A_135 : i32
      %add3A_137 = arith.constant 80 : i32
      %add3A_138 = arith.addi %mul3A_136, %add3A_137 : i32
      %get3A_139 = arith.index_cast %add3A_138 : i32 to index
      %get3A_140 = tpu.vector_load %arg7[%get3A_139] {strides = array<i32>} : memref<13440xi32, #tpu.memory_space<vmem>>, vector<16xi32>,
      %swap3A_141 = arith.constant 80 : index
      %swap3A_142 = tpu.vector_load %arg9[%swap3A_141] {strides = array<i32>} : memref<128xi32, #tpu.memory_space<vmem>>, vector<16xi32>,
      tpu.vector_store %arg9[%swap3A_141], %get3A_140 {strides = array<i32>} : memref<128xi32, #tpu.memory_space<vmem>>, vector<16xi32>,
      %mul3A_143 = arith.constant 128 : i32
      %mul3A_144 = arith.muli %while3A_95, %mul3A_143 : i32
      %add3A_145 = arith.constant 96 : i32
      %add3A_146 = arith.addi %mul3A_144, %add3A_145 : i32
      %get3A_147 = arith.index_cast %add3A_146 : i32 to index
      %get3A_148 = tpu.vector_load %arg7[%get3A_147] {strides = array<i32>} : memref<13440xi32, #tpu.memory_space<vmem>>, vector<16xi32>,
      %swap3A_149 = arith.constant 96 : index
      %swap3A_150 = tpu.vector_load %arg9[%swap3A_149] {strides = array<i32>} : memref<128xi32, #tpu.memory_space<vmem>>, vector<16xi32>,
      tpu.vector_store %arg9[%swap3A_149], %get3A_148 {strides = array<i32>} : memref<128xi32, #tpu.memory_space<vmem>>, vector<16xi32>,
      %mul3A_151 = arith.constant 128 : i32
      %mul3A_152 = arith.muli %while3A_95, %mul3A_151 : i32
      %add3A_153 = arith.constant 112 : i32
      %add3A_154 = arith.addi %mul3A_152, %add3A_153 : i32
      %get3A_155 = arith.index_cast %add3A_154 : i32 to index
      %get3A_156 = tpu.vector_load %arg7[%get3A_155] {strides = array<i32>} : memref<13440xi32, #tpu.memory_space<vmem>>, vector<16xi32>,
      %swap3A_157 = arith.constant 112 : index
      %swap3A_158 = tpu.vector_load %arg9[%swap3A_157] {strides = array<i32>} : memref<128xi32, #tpu.memory_space<vmem>>, vector<16xi32>,
      tpu.vector_store %arg9[%swap3A_157], %get3A_156 {strides = array<i32>} : memref<128xi32, #tpu.memory_space<vmem>>, vector<16xi32>,
      %dma_start3A = arith.constant 0 : i32
      %dma_start3A_159 = arith.constant 0 : i32
      %dma_start3A_160 = tpu.memref_slice %arg4[%dma_start3A, %dma_start3A_159] : memref<425984x128xf32, #tpu.memory_space<hbm>> -> memref<425984x128xf32, #tpu.memory_space<hbm>>
      tpu.enqueue_indirect_dma source(%arg11 : memref<128x128xf32, #tpu.memory_space<vmem>>) target(%dma_start3A_160 : memref<425984x128xf32, #tpu.memory_space<hbm>>) offsets(%arg9 : memref<128xi32, #tpu.memory_space<vmem>>) semaphore(%arg14 : memref<!tpu.dma_semaphore, #tpu.memory_space<semaphore_mem>>)
      %dma_wait3A = arith.constant 0 : i32
      %dma_wait3A_161 = arith.constant 0 : i32
      %dma_wait3A_162 = tpu.memref_slice %arg4[%dma_wait3A, %dma_wait3A_161] : memref<425984x128xf32, #tpu.memory_space<hbm>> -> memref<425984x128xf32, #tpu.memory_space<hbm>>
      tpu.wait_indirect_dma semaphore(%arg14 : memref<!tpu.dma_semaphore, #tpu.memory_space<semaphore_mem>>) src(%arg11 : memref<128x128xf32, #tpu.memory_space<vmem>>) dst(%dma_wait3A_162 : memref<425984x128xf32, #tpu.memory_space<hbm>>)
      %while3A_163 = arith.constant 0 : i32
      scf.yield %while3A_163 : i32
    }
    return
  }
}

</mosaic_0001>

<sc_bundles>
// kernel: kernel.3.cloned.1.call-start
scs
__scs_entry_jumppad:
0x0: {  	(pc) =	sbr.rel $0x88, $3  }
0x1: {  	(tag) =	ssettag $0x0;
	lr =	simm.s32 $0x1  }
0x2: {  	[smem:$0x3F9F] =	sst lr;
	_ =	strace $0xD0000000  }
0x3: {  	_ = 	snop  }
0x4: {  	_ = 	snop  }
0x5: {  	_ = 	snop  }
0x6: {  	_ = 	snop  }
0x7: {  	_ = 	snop  }
__scs_overlays_trampoline_lowered:
0x8: {  	[smem:$0x3FAE] =	sst s0  }
0x9: {  	[smem:$0x3FAF] =	sst s1  }
0xa: {  	[smem:$0x3FB0] =	sst s2  }
0xb: {  	[smem:$0x3FB1] =	sst s3  }
0xc: {  	[smem:$0x3FB2] =	sst s4  }
0xd: {  	[smem:$0x3FB3] =	sst s5  }
0xe: {  	[smem:$0x3FB4] =	sst s6  }
0xf: {  	[smem:$0x3FB5] =	sst s7  }
0x10: {  	[smem:$0x3FB6] =	sst s8  }
0x11: {  	[smem:$0x3FB7] =	sst s9;
	s0 =	simm.s32 @!p0 $0x0  }
0x12: {  	s1 =	sld [smem:$0x3F9D];
	s0 =	simm.s32 @p0 $0x1  }
0x13: {  	[smem:$0x3FB8] =	sst s0;
	s0 =	simm.s32 @!p1 $0x0  }
0x14: {  	s2 =	sld [smem:$0x3F9C];
	s0 =	simm.s32 @p1 $0x1  }
0x15: {  	[smem:$0x3FB9] =	sst s0;
	s0 =	simm.s32 @!p2 $0x0  }
0x16: {  	s3 =	sld [smem:$0x3FDB];
	s0 =	simm.s32 @p2 $0x1  }
0x17: {  	s4 =	simm.s32 $0x1BF5;
	[smem:$0x3FBB] =	sst s0  }
0x18: {  	s0 =	sld [smem:$0x3F9E];
	_ =	swait.ge [sflag:s4], $0x0  }
0x19: {  	s7 =	sld [smem:$0x3F9F]  }
0x1a: {  	s8 =	sadd.s32 $0xFFFFE003, lr  }
0x1b: {  	s9 =	sadd.s32 $0xFFFFFEF7, lr;
	s5 =	simm.s32 $0xFFFFFFFF;
	p2 =	slt.u32 s8, $0xFFFFF086  }
0x1c: {  	p1 =	slt.u32 s9, $0xF7A;
	s5 =	simm.s32 @!p2 $0x0  }
0x1d: {  	s5 =	simm.s32 @p1 $0x1;
	p0 =	seq.s32 s7, s2  }
0x1e: {  	s7 =	smul.u32 @!p0 $0xF7A, s2;
	p2 =	seq.s32 @!p0 s5, $0x0  }
0x1f: {  	s9 =	smul.u32 $0xF7A, s1;
	s8 =	simm.s32 @!p0 $0x1BF5;
	p2 =	por !p2, p0  }
0x20: {  	[sflag:s8] =	ssyncset.s32 @!p0 $0xFFFFF086;
	s6 =	sadd.s32 @!p0 s3, s7;
	s7 =	simm.s32 @!p0 $0x108  }
0x21: {  	s3 =	sadd.s32 s3, s9;
	s6 =	sadd.s32 @!p0 $0x88, s6;
	s7 =	simm.s32 @p2 $0x1082  }
0x22: {  	[simem:s7], [sflag:s8] =	dma.local @!p0 [hbm:s6], $0xF7A  }
0x23: {  	s9 =	sor.u32 $0xD0000000, s2;
	s6 =	simm.s32 $0x108;
	_ =	swait.ge @!p0 [sflag:s8], $0x0  }
0x24: {  	s3 =	sadd.s32 $0x88, s3;
	s6 =	simm.s32 @!p1 $0x1082;
	[sflag:s4] =	ssyncset.s32 $0xFFFFF086  }
0x25: {  	[simem:s6], [sflag:s4] =	dma.local [hbm:s3], $0xF7A  }
0x26: {  	[smem:$0x3F9F] =	sst s1;
	(tag) =	ssettag s2;
	_ =	strace s9  }
0x27: {  	s1 =	sld [smem:$0x3FAF]  }
0x28: {  	s2 =	sld [smem:$0x3FB0]  }
0x29: {  	s4 =	sld [smem:$0x3FB2]  }
0x2a: {  	p0 =	seq.s32 s5, $0x0;
	s5 =	sld [smem:$0x3FB3]  }
0x2b: {  	s6 =	sld [smem:$0x3FB4]  }
0x2c: {  	s7 =	sld [smem:$0x3FB5]  }
0x2d: {  	s3 =	simm.s32 $0x108;
	s8 =	sld [smem:$0x3FB6]  }
0x2e: {  	s3 =	simm.s32 @!p0 $0x1082;
	s9 =	sld [smem:$0x3FB7]  }
0x2f: {  	lr =	sadd.s32 s0, s3;
	s0 =	sld [smem:$0x3FAE]  }
0x30: {  	s3 =	sld [smem:$0x3FB1]  }
0x31: {  	[smem:$0x3FBA] =	sst s10  }
0x32: {  	s10 =	sld [smem:$0x3FB8];
	_ =	sdelay $0x3  }
0x33: {  	p0 =	seq.s32 s10, $0x1;
	s10 =	sld [smem:$0x3FBA];
	_ =	sdelay $0x3  }
0x34: {  	[smem:$0x3FBA] =	sst s10  }
0x35: {  	s10 =	sld [smem:$0x3FB9];
	_ =	sdelay $0x3  }
0x36: {  	p1 =	seq.s32 s10, $0x1;
	s10 =	sld [smem:$0x3FBA];
	_ =	sdelay $0x3  }
0x37: {  	[smem:$0x3FBA] =	sst s10  }
0x38: {  	s10 =	sld [smem:$0x3FBB]  }
0x39: {  	_ = 	snop;
	(pc) =	sbr.ind lr, $3  }
0x3a: {  	_ = 	snop  }
0x3b: {  	_ = 	snop  }
0x3c: {  	p2 =	seq.s32 s10, $0x1;
	s10 =	sld [smem:$0x3FBA]  }
0x3d: {  	_ =	shalt  }
0x3e: {  	_ =	shalt  }
0x3f: {  	_ =	shalt  }
0x40: {  	_ =	shalt  }
0x41: {  	_ =	shalt  }
0x42: {  	_ =	shalt  }
0x43: {  	_ =	shalt  }
0x44: {  	_ =	shalt  }
0x45: {  	_ =	shalt  }
0x46: {  	_ =	shalt  }
0x47: {  	_ =	shalt  }
0x48: {  	_ =	shalt  }
0x49: {  	_ =	shalt  }
0x4a: {  	_ =	shalt  }
0x4b: {  	_ =	shalt  }
0x4c: {  	_ =	shalt  }
0x4d: {  	_ =	shalt  }
0x4e: {  	_ =	shalt  }
0x4f: {  	_ =	shalt  }
0x50: {  	_ =	shalt  }
0x51: {  	_ =	shalt  }
0x52: {  	_ =	shalt  }
0x53: {  	_ =	shalt  }
0x54: {  	_ =	shalt  }
0x55: {  	_ =	shalt  }
0x56: {  	_ =	shalt  }
0x57: {  	_ =	shalt  }
0x58: {  	_ =	shalt  }
0x59: {  	_ =	shalt  }
0x5a: {  	_ =	shalt  }
0x5b: {  	_ =	shalt  }
0x5c: {  	_ =	shalt  }
0x5d: {  	_ =	shalt  }
0x5e: {  	_ =	shalt  }
0x5f: {  	_ =	shalt  }
0x60: {  	_ =	shalt  }
0x61: {  	_ =	shalt  }
0x62: {  	_ =	shalt  }
0x63: {  	_ =	shalt  }
0x64: {  	_ =	shalt  }
0x65: {  	_ =	shalt  }
0x66: {  	_ =	shalt  }
0x67: {  	_ =	shalt  }
0x68: {  	_ =	shalt  }
0x69: {  	_ =	shalt  }
0x6a: {  	_ =	shalt  }
0x6b: {  	_ =	shalt  }
0x6c: {  	_ =	shalt  }
0x6d: {  	_ =	shalt  }
0x6e: {  	_ =	shalt  }
0x6f: {  	_ =	shalt  }
0x70: {  	_ =	shalt  }
0x71: {  	_ =	shalt  }
0x72: {  	_ =	shalt  }
0x73: {  	_ =	shalt  }
0x74: {  	_ =	shalt  }
0x75: {  	_ =	shalt  }
0x76: {  	_ =	shalt  }
0x77: {  	_ =	shalt  }
0x78: {  	_ =	shalt  }
0x79: {  	_ =	shalt  }
0x7a: {  	_ =	shalt  }
0x7b: {  	_ =	shalt  }
0x7c: {  	_ =	shalt  }
0x7d: {  	_ =	shalt  }
0x7e: {  	_ =	shalt  }
0x7f: {  	_ =	shalt  }
0x80: {  	_ =	shalt  }
0x81: {  	_ =	shalt  }
0x82: {  	_ =	shalt  }
0x83: {  	_ =	shalt  }
0x84: {  	_ =	shalt  }
0x85: {  	_ =	shalt  }
0x86: {  	_ =	shalt  }
0x87: {  	_ =	shalt  }
.Lfunc_end0:
.L_simem_size_0:
called_computation_lowered:
.L_overlay_start_0:
0x88: {  	s2 =	sld [smem:$0x3FD9]  }
0x89: {  	s3 =	sld [smem:$0x3FFE];
	_ =	sdelay $0x1  }
0x8a: {  	s1 =	srdreg.scid  }
0x8b: {  	s0 =	sand.u32 $0x1, s1  }
0x8c: {  	s17 =	sshll.u32 s0, $0xA;
	s2 =	sadd.s32 s3, s2  }
0x8d: {  	s2 =	sadd.s32 s2, s17  }
0x8e: {  	[smem:$0x3FC6] =	sst s2  }
0x8f: {  	_ = 	snop  }
0x90: {  	s2 =	sld [smem:$0x3FD0];
	(tm) =	ssettm $0x1  }
0x91: {  	s18 =	sld [smem:$0x3FFB];
	_ =	sdelay $0x3  }
0x92: {  	_ =	strace s18  }
0x93: {  	s3 =	sld [smem:$0x3FFC];
	_ =	sdelay $0x3  }
0x94: {  	_ =	strace s3  }
0x95: {  	s3 =	sld [smem:$0x3FFD];
	_ =	sdelay $0x3  }
0x96: {  	_ =	strace s3  }
0x97: {  	_ =	strace $0x8FFFFFFF  }
0x98: {  	s19 =	sld [smem:$0x3FDB];
	_ =	sdelay $0x1  }
0x99: {  	s4 =	simm.s32 $_scs_section_size  }
0x9a: {  	s5 =	simm.s32 $_size__tile_overlayer_lowered;
	s6 =	simm.s32 $_tile_overlayer_lowered  }
0x9b: {  	s22 =	simm.s32 $0x1BFF;
	s21 =	sshll.u32 s6, $0x1;
	s3 =	sadd.s32 s4, s19  }
0x9c: {  	s7 =	simm.s32 $0x0;
	s20 =	sshll.u32 s5, $0x1;
	s5 =	sadd.s32 s21, s3  }
0x9d: {  	[timem:s7], [sflag:s22] =	dma.local [hbm:s5], s20  }
0x9e: {  	_ =	swait.ge [sflag:s22], s20  }
0x9f: {  	s4 =	ssub.s32 $0x0, s20;
	[sflag:s22] =	ssyncset.done $0x0  }
0xa0: {  	[sflag:s22] =	ssyncadd.s32 s4;
	_ =	sdelay $0x1  }
0xa1: {  	s23 =	simm.s32 $0x1B8B  }
0xa2: {  	_ =	swait.ge [sflag:s23], $0x1  }
0xa3: {  	[sflag:s23] =	ssyncset.done $0x0  }
0xa4: {  	s25 =	simm.s32 $0x1B8E;
	s24 =	sld [smem:$0x3FFE];
	[sflag:s23] =	ssyncadd.s32 $0xFFFFFFFF  }
0xa5: {  	s26 =	simm.s32 $execute0_lowered;
	[smem:$0x3FD2] =	sst s25  }
0xa6: {  	s5 =	sshll.u32 s26, $0x1;
	_ =	strace $0x80000046;
	[dreg:$0x1] =	wrdreg $0xFFFFFFFF  }
0xa7: {  	s28 =	simm.s32 $_size_execute0_lowered;
	s3 =	sadd.s32 s3, s5;
	[dreg:$0x0] =	wrdreg $0x0  }
0xa8: {  	s5 =	sshll.u32 s28, $0x1;
	[dreg:$0x2] =	wrdreg s3  }
0xa9: {  	[dreg:$0x3] =	wrdreg s5  }
0xaa: {  	[dreg:$0x4] =	wrdreg $0xC0  }
0xab: {  	_ =	task [dreg:s7], $0x5FFFF  }
0xac: {  	[dreg:$0x1] =	wrdreg $0xFFFFFFFF  }
0xad: {  	[dreg:$0x0] =	wrdreg $0x60  }
0xae: {  	[dreg:$0x2] =	wrdreg s2  }
0xaf: {  	[dreg:$0x3] =	wrdreg s24  }
0xb0: {  	[dreg:$0x4] =	wrdreg $0x9  }
0xb1: {  	_ =	task.clear_ibuf [dreg:s7], $0x5FFFF;
	_ =	strace $0x90000046  }
0xb2: {  	s29 =	simm.s32 $0x9;
	_ =	strace $0x80000048  }
0xb3: {  	_ =	swait.ge [sflag:s29], $0x1  }
0xb4: {  	[sflag:s29] =	ssyncadd.s32 $0xFFFFFFFF  }
0xb5: {  	_ =	strace $0x90000048  }
0xb6: {  	_ =	sfence  }
0xb7: {  	s30 =	sld [smem:$0x0];
	_ =	sdelay $0x2  }
0xb8: {  	s31 =	sshll.u32 s1, $0xD;
	s1 =	sshrl.u32 s1, $0x2  }
0xb9: {  	s3 =	sand.u32 $0x4000, s31;
	s1 =	sadd.s32 s1, s30  }
0xba: {  	s0 =	sor.u32 s3, s0;
	s1 =	sshll.u32 s1, $0x11  }
0xbb: {  	s0 =	sor.u32 s1, s0  }
0xbc: {  	s0 =	sadd.s32 $0x8F2B, s0  }
0xbd: {  	[sflag:s0] =	ssyncadd.remote.s32 $0x1  }
0xbe: {  	_ =	sfence.sel $0xFFFF  }
0xbf: {  	[dreg:$0x0] =	wrdreg $0xFFFFFFFF;
	(pc) =	sbr.abs _section_cstart, $3  }
0xc0: {  	[dreg:$0x1] =	wrdreg $0xFFFFFFFF  }
0xc1: {  	_ =	task.clear_ibuf [dreg:s7], $0x2FFFF;
	_ =	strace $0x9FFFFFFF  }
0xc2: {  	(tm) =	ssettm $0x7FFFFFFF  }
0xc3: {  	_ =	shalt  }
tec
execute0_lowered:
.L_overlay_start_1:
0x0: {  	(tag) =	ssettag $0x1  }
0x1: {  	s2 =	rddreg [dreg:$0x0]  }
0x2: {  	s1 =	srdreg.scid;
	s0 =	stileid.u32  }
0x3: {  	s4 =	rddreg [dreg:$0x1];
	s3 =	simm.s32 $0x0;
	s11 =	simm.s32 $0x1  }
0x4: {  	s12 =	simm.s32 $0x80;
	s13 =	simm.s32 $0x9D00;
	s14 =	simm.s32 $0x9E00  }
0x5: {  	s15 =	simm.s32 $0x2;
	s16 =	simm.s32 $0x9D80;
	s17 =	simm.s32 $0xDE00  }
0x6: {  	s5 =	sand.u32 $0x1, s1;
	s6 =	sshll.u32 s0, $0x1;
	s8 =	smul.u32 $0x6800, s0  }
0x7: {  	s18 =	simm.s32 $0x3;
	s6 =	sor.u32 s5, s6;
	s10 =	smul.u32 $0x3400, s5  }
0x8: {  	s19 =	simm.s32 $0x0;
	s7 =	ssub.s32 $0x2, s5;
	s6 =	smul.u32 $0x3400, s6  }
.Ltmp0:
0x9: {  	[smem:$0x7FF] =	sst s3;
	s9 =	sshrl.u32 s7, $0x1;
	(pc) =	sbr.rel .LBB2_1-.Ltmp0, $4  }
0xa: {  	s1 =	rddreg [dreg:$0x2];
	_ =	strace $0x80000047;
	s31 =	ssub.s32 s7, s9  }
0xb: {  	s7 =	sadd.s32 s10, s8;
	s8 =	simm.s32 $0x4;
	s6 =	sshrl.u32 s6, $0x3  }
0xc: {  	s9 =	simm.s32 $0x3400;
	s10 =	simm.s32 $0x6880;
	s30 =	sadd.s32 s6, s4  }
0xd: {  	v0 =	vimm.f32 $0.0e+00;
	v1 =	vlaneseq.u32;
	s4 =	sadd.s32 $0xD400, s4;
	s6 =	smax.u32 s31, $0x1;
	s5 =	sadd.s32 $0x400, s30  }
.LBB2_9:
0xe: {  	[sflag:s18] =	ssyncadd.s32 $0xFFFFC000  }
.LBB2_10:
0xf: {  	s19 =	sadd.s32 $0x1, s19  }
0x10: {  	p0 =	sne.s32 s19, s6  }
.Ltmp1:
0x11: {  	_ = 	snop;
	(pc) =	sbr.rel @!p0 .LBB2_11-.Ltmp1, $1  }
0x12: {  	_ =	sdelay $0x3  }
.LBB2_1:
0x13: {  	[tilespmem:s3], [sflag:$0x4] =	stream.linear.gather [hbm4b:s5+s3], $0x3400, $0x38;
	[tilespmem:$0x11E00] =	vst v63  }
0x14: {  	_ =	swait.ge [sflag:s8], $0x3400  }
0x15: {  	[sflag:s8] =	ssyncset.done $0x0  }
0x16: {  	s20 =	simm.s32 $0x0;
	s21 =	simm.s32 $0x200;
	[sflag:s8] =	ssyncadd.s32 $0xFFFFCC00  }
.LBB2_2:
0x17: {  	p0 =	sne.s32 s21, $0xFE00;
	[tilespmem:s20+$0xDE70] =	vst v0  }
0x18: {  	[tilespmem:s20+$0xDE00] =	vst v0  }
0x19: {  	[tilespmem:s20+$0xDE10] =	vst v0  }
.Ltmp2:
0x1a: {  	[tilespmem:s20+$0xDE20] =	vst v0;
	(pc) =	sbr.rel @p0 .LBB2_2-.Ltmp2, $4  }
0x1b: {  	[tilespmem:s20+$0xDE30] =	vst v0  }
0x1c: {  	[tilespmem:s20+$0xDE40] =	vst v0  }
0x1d: {  	[tilespmem:s20+$0xDE50] =	vst v0  }
0x1e: {  	[tilespmem:s20+$0xDE60] =	vst v0;
	s20 =	sshra.s32 s21, $0x2;
	s21 =	sadd.s32 $0x200, s21  }
0x1f: {  	[tilespmem:s20+$0xDE70] =	vst v0  }
0x20: {  	[tilespmem:s20+$0xDE00] =	vst v0  }
0x21: {  	[tilespmem:s20+$0xDE10] =	vst v0  }
0x22: {  	[tilespmem:s20+$0xDE20] =	vst v0  }
0x23: {  	[tilespmem:s20+$0xDE30] =	vst v0  }
0x24: {  	[tilespmem:s20+$0xDE40] =	vst v0  }
0x25: {  	[tilespmem:s20+$0xDE50] =	vst v0  }
0x26: {  	[tilespmem:s20+$0xDE60] =	vst v0;
	s31 =	simm.s32 $0x0  }
0x27: {  	v2 =	vld [tilespmem:s31+$0x0];
	_ =	sdelay $0x4  }
0x28: {  	(xrf0) =	vadd.scan.msk.s32 $0xffff, v2;
	_ =	sdelay $0x2  }
0x29: {  	s20 =	simm.s32 $0x0  }
0x2a: {  	v3 =	vmov s20  }
0x2b: {  	v3 =	vadd.s32 $0xFFFFFFFF, v3  }
0x2c: {  	v3 =	vbroadcast v3, $0x0;
	v4, _, _ =	vpop (xrf0)  }
0x2d: {  	vm1 =	vne.s32 v2, $0x0;
	(v2sf) =	vpush v4, $0xF  }
0x2e: {  	vm0 =	veq.s32 v2, $0x0;
	v5 =	vadd.s32 v3, v4;
	v6 =	vsub.s32 s20, v4  }
0x2f: {  	v2 =	vadd.s32 v1, v6;
	_ =	sdelay $0x2  }
0x30: {  	s23 =	simm.s32 $0x40;
	v3 =	vor.u32 s7, v1  }
0x31: {  	s24 =	simm.s32 $0x80;
	s22 =	simm.s32 $0x0;
	s21 =	smov.u32 s7;
	[tilespmem:v5+s9+$0x0] =	vst.idx.msk vm1, v3  }
.LBB2_4:
0x32: {  	p0 =	sne.s32 s24, $0xCFC0;
	s25 =	sshra.s32 s23, $0x2;
	[tilespmem:v2+s10+$0x0] =	vst.idx.msk vm0, v3;
	s23 =	smov.u32 s24  }
0x33: {  	v2 =	vld [tilespmem:s25+$0x0];
	_ =	sdelay $0x4  }
0x34: {  	vm0 =	veq.s32 v2, $0x0;
	vm1 =	vne.s32 v2, $0x0;
	(xrf0) =	vadd.scan.msk.s32 $0xffff, v2;
	_ =	sdelay $0x1  }
0x35: {  	s25 =	spop (v2sf)  }
0x36: {  	s20 =	sadd.s32 s20, s25;
	s22 =	ssub.s32 s22, s25  }
0x37: {  	v2 =	vmov s20;
	s22 =	sadd.s32 $0x10, s22  }
0x38: {  	v2 =	vadd.s32 $0xFFFFFFFF, v2  }
0x39: {  	v2 =	vbroadcast v2, $0x0;
	v3, _, _ =	vpop (xrf0)  }
0x3a: {  	v4 =	vsub.s32 s22, v3;
	(v2sf) =	vpush v3, $0xF  }
0x3b: {  	v5 =	vadd.s32 v2, v3  }
.Ltmp3:
0x3c: {  	v2 =	vadd.s32 v1, v4;
	(pc) =	sbr.rel @p0 .LBB2_4-.Ltmp3, $4  }
0x3d: {  	_ = 	snop  }
0x3e: {  	s21 =	sadd.s32 $0x10, s21  }
0x3f: {  	v3 =	vor.u32 s21, v1  }
0x40: {  	s24 =	sadd.s32 $0x40, s24;
	[tilespmem:v5+s9+$0x0] =	vst.idx.msk vm1, v3  }
0x41: {  	_ =	sdelay $0x4  }
0x42: {  	s23 =	sshra.s32 s23, $0x2;
	[tilespmem:v2+s10+$0x0] =	vst.idx.msk vm0, v3  }
0x43: {  	v2 =	vld [tilespmem:s23+$0x0];
	_ =	sdelay $0x4  }
0x44: {  	(xrf0) =	vadd.scan.msk.s32 $0xffff, v2;
	_ =	sdelay $0x5  }
0x45: {  	v3, _, _ =	vpop (xrf0)  }
0x46: {  	(v2sf) =	vpush v3, $0xF;
	_ =	sdelay $0x5  }
0x47: {  	s28 =	spop (v2sf)  }
0x48: {  	s20 =	sadd.s32 s20, s28  }
0x49: {  	v4 =	vmov s20  }
0x4a: {  	v4 =	vadd.s32 $0xFFFFFFFF, v4  }
0x4b: {  	s22 =	ssub.s32 s22, s28;
	v4 =	vbroadcast v4, $0x0  }
0x4c: {  	vm15 =	vne.s32 v2, $0x0;
	s22 =	sadd.s32 $0x10, s22  }
0x4d: {  	vm1 =	veq.s32 v2, $0x0;
	v2 =	vsub.s32 s22, v3;
	v3 =	vadd.s32 v4, v3  }
0x4e: {  	v2 =	vadd.s32 v1, v2;
	_ =	sdelay $0x1  }
0x4f: {  	s21 =	sadd.s32 $0x10, s21;
	s29 =	spop (v2sf)  }
0x50: {  	v63 =	vor.u32 s21, v1;
	s21 =	sadd.s32 s20, s29  }
0x51: {  	[tilespmem:v3+s9+$0x0] =	vst.idx.msk vm15, v63;
	p1 =	slt.s32 s21, $0x1  }
0x52: {  	[tilespmem:v2+s10+$0x0] =	vst.idx.msk vm1, v63;
	v2 =	vlaneseq.u32 @!p1  }
0x53: {  	v3 =	vld.msk @!p1 [tilespmem:$0x3400 ss:$0x0], $0xffff;
	s20 =	sadd.s32 @!p1 $0x10, s21;
	v4 =	vadd.s32 @!p1 s21, v2  }
0x54: {  	v5 =	vadd.s32 @!p1 s20, v2;
	s20 =	sadd.s32 @!p1 $0x20, s21  }
0x55: {  	v6 =	vadd.s32 @!p1 s20, v2;
	s20 =	sadd.s32 @!p1 $0x30, s21  }
0x56: {  	v7 =	vadd.s32 @!p1 s20, v2;
	s20 =	sadd.s32 @!p1 $0x40, s21  }
0x57: {  	s24 =	simm.s32 @!p1 $0x3400;
	v8 =	vadd.s32 @!p1 s20, v2;
	s20 =	sadd.s32 @!p1 $0x50, s21  }
0x58: {  	[tilespmem:v4+s24+$0x0] =	vst.idx.msk @!p1 $0xffff, v3;
	v4 =	vadd.s32 @!p1 s20, v2;
	s20 =	sadd.s32 @!p1 $0x60, s21  }
0x59: {  	[tilespmem:v5+s24+$0x0] =	vst.idx.msk @!p1 $0xffff, v3;
	v5 =	vadd.s32 @!p1 s20, v2;
	s20 =	sadd.s32 @!p1 $0x70, s21  }
0x5a: {  	[tilespmem:v6+s24+$0x0] =	vst.idx.msk @!p1 $0xffff, v3;
	v2 =	vadd.s32 @!p1 s20, v2  }
0x5b: {  	[tilespmem:v7+s24+$0x0] =	vst.idx.msk @!p1 $0xffff, v3  }
0x5c: {  	s30 =	ssub.s32 s22, s29;
	[tilespmem:v8+s24+$0x0] =	vst.idx.msk @!p1 $0xffff, v3  }
0x5d: {  	s20 =	sadd.s32 $0x10, s30;
	[tilespmem:v4+s24+$0x0] =	vst.idx.msk @!p1 $0xffff, v3  }
0x5e: {  	p0 =	slt.s32 s20, $0x1;
	[tilespmem:v5+s24+$0x0] =	vst.idx.msk @!p1 $0xffff, v3  }
0x5f: {  	[tilespmem:v2+s24+$0x0] =	vst.idx.msk @!p1 $0xffff, v3;
	v2 =	vlaneseq.u32 @!p0  }
0x60: {  	s22 =	sadd.s32 @!p0 $0x10, s20;
	v3 =	vld.msk @!p0 [tilespmem:$0x6880 ss:$0x0], $0xffff;
	v4 =	vadd.s32 @!p0 s20, v2  }
0x61: {  	v5 =	vadd.s32 @!p0 s22, v2;
	s22 =	sadd.s32 @!p0 $0x20, s20  }
0x62: {  	s21 =	sadd.s32 $0x7F, s21;
	v6 =	vadd.s32 @!p0 s22, v2;
	s22 =	sadd.s32 @!p0 $0x30, s20  }
0x63: {  	s25 =	sand.u32 $0x7F, s21;
	v7 =	vadd.s32 @!p0 s22, v2;
	s22 =	sadd.s32 @!p0 $0x40, s20  }
0x64: {  	s31 =	sshra.s32 s21, $0x1F;
	s23 =	simm.s32 @!p0 $0x6880;
	v8 =	vadd.s32 @!p0 s22, v2;
	s22 =	sadd.s32 @!p0 $0x50, s20  }
0x65: {  	p2 =	slt.s32 s21, $0x1;
	p6 =	sne.s32 s25, $0x0;
	[tilespmem:v4+s23+$0x0] =	vst.idx.msk @!p0 $0xffff, v3;
	v4 =	vadd.s32 @!p0 s22, v2;
	s22 =	sadd.s32 @!p0 $0x60, s20  }
0x66: {  	p1 =	por !p2, !p6;
	v9 =	vadd.s32 @!p0 s22, v2;
	s22 =	sshrl.u32 s31, $0x19  }
0x67: {  	p1 =	por !p1, !p1;
	s21 =	sadd.s32 s22, s21;
	s22 =	simm.s32 $0x1  }
0x68: {  	s21 =	sshra.s32 s21, $0x7;
	s22 =	simm.s32 @!p1 $0x0  }
0x69: {  	s24 =	sadd.s32 @!p0 $0x70, s20;
	[tilespmem:v5+s23+$0x0] =	vst.idx.msk @!p0 $0xffff, v3;
	s22 =	ssub.s32 s21, s22  }
0x6a: {  	v2 =	vadd.s32 @!p0 s24, v2;
	[tilespmem:v6+s23+$0x0] =	vst.idx.msk @!p0 $0xffff, v3;
	p1 =	sgt.s32 s22, $0x0  }
.Ltmp4:
0x6b: {  	[tilespmem:v7+s23+$0x0] =	vst.idx.msk @!p0 $0xffff, v3;
	(pc) =	sbr.rel @!p1 .LBB2_6-.Ltmp4, $4  }
0x6c: {  	[tilespmem:v8+s23+$0x0] =	vst.idx.msk @!p0 $0xffff, v3  }
0x6d: {  	[tilespmem:v4+s23+$0x0] =	vst.idx.msk @!p0 $0xffff, v3  }
0x6e: {  	[tilespmem:v9+s23+$0x0] =	vst.idx.msk @!p0 $0xffff, v3  }
0x6f: {  	s21 =	simm.s32 $0x3440;
	[tilespmem:v2+s23+$0x0] =	vst.idx.msk @!p0 $0xffff, v3  }
0x70: {  	v2 =	vld [tilespmem:s21+$0xFFFFFFC0];
	_ =	sdelay $0x4  }
0x71: {  	[tilespmem:$0x9D00] =	vst v2  }
0x72: {  	v2 =	vld [tilespmem:s21+$0xFFFFFFD0];
	_ =	sdelay $0x4  }
0x73: {  	[tilespmem:$0x9D10] =	vst v2  }
0x74: {  	v2 =	vld [tilespmem:s21+$0xFFFFFFE0];
	_ =	sdelay $0x4  }
0x75: {  	[tilespmem:$0x9D20] =	vst v2  }
0x76: {  	v2 =	vld [tilespmem:s21+$0xFFFFFFF0];
	_ =	sdelay $0x4  }
0x77: {  	[tilespmem:$0x9D30] =	vst v2  }
0x78: {  	v2 =	vld [tilespmem:s21+$0x0];
	_ =	sdelay $0x4  }
0x79: {  	[tilespmem:$0x9D40] =	vst v2  }
0x7a: {  	v2 =	vld [tilespmem:s21+$0x10];
	_ =	sdelay $0x4  }
0x7b: {  	[tilespmem:$0x9D50] =	vst v2  }
0x7c: {  	v2 =	vld [tilespmem:s21+$0x20];
	_ =	sdelay $0x4  }
0x7d: {  	[tilespmem:$0x9D60] =	vst v2  }
0x7e: {  	v2 =	vld [tilespmem:s21+$0x30];
	_ =	sdelay $0x4  }
0x7f: {  	[tilespmem:$0x9D70] =	vst v2  }
0x80: {  	[tilespmem:s14], [sflag:$0x1] =	stream.indirect.gather [hbm4b:s2+s12], $0x80, s13, s12, $0xb8;
	[tilespmem:$0x11E00] =	vst v63  }
0x81: {  	p0 =	seq.s32 s22, $0x1;
	_ =	swait.ge [sflag:s11], $0x4000  }
.Ltmp5:
0x82: {  	[sflag:s11] =	ssyncset.done $0x0;
	(pc) =	sbr.rel @p0 .LBB2_14-.Ltmp5, $4  }
0x83: {  	[sflag:s11] =	ssyncadd.s32 $0xFFFFC000  }
0x84: {  	[hbm4b:s4+s12] =	stream.indirect.scatter [tilespmem:s14], [sflag:$0x2], $0x80, s13, s12, $0xb8;
	[tilespmem:$0x11E00] =	vst v63  }
0x85: {  	_ =	swait.ge [sflag:s15], $0x4000  }
0x86: {  	s22 =	sadd.s32 $0xFFFFFFFF, s22;
	[sflag:s15] =	ssyncset.done $0x0  }
.LBB2_13:
0x87: {  	p0 =	seq.s32 s22, $0x1;
	[sflag:s15] =	ssyncadd.s32 $0xFFFFC000;
	s21 =	sadd.s32 $0x80, s21  }
0x88: {  	s22 =	sadd.s32 $0xFFFFFFFF, s22;
	v2 =	vld [tilespmem:s21+$0xFFFFFFC0];
	_ =	sdelay $0x4  }
0x89: {  	[tilespmem:$0x9D00] =	vst v2  }
0x8a: {  	v2 =	vld [tilespmem:s21+$0xFFFFFFD0];
	_ =	sdelay $0x4  }
0x8b: {  	[tilespmem:$0x9D10] =	vst v2  }
0x8c: {  	v2 =	vld [tilespmem:s21+$0xFFFFFFE0];
	_ =	sdelay $0x4  }
0x8d: {  	[tilespmem:$0x9D20] =	vst v2  }
0x8e: {  	v2 =	vld [tilespmem:s21+$0xFFFFFFF0];
	_ =	sdelay $0x4  }
0x8f: {  	[tilespmem:$0x9D30] =	vst v2  }
0x90: {  	v2 =	vld [tilespmem:s21+$0x0];
	_ =	sdelay $0x4  }
0x91: {  	[tilespmem:$0x9D40] =	vst v2  }
0x92: {  	v2 =	vld [tilespmem:s21+$0x10];
	_ =	sdelay $0x4  }
0x93: {  	[tilespmem:$0x9D50] =	vst v2  }
0x94: {  	v2 =	vld [tilespmem:s21+$0x20];
	_ =	sdelay $0x4  }
0x95: {  	[tilespmem:$0x9D60] =	vst v2  }
0x96: {  	v2 =	vld [tilespmem:s21+$0x30];
	_ =	sdelay $0x4  }
0x97: {  	[tilespmem:$0x9D70] =	vst v2  }
0x98: {  	[tilespmem:s14], [sflag:$0x1] =	stream.indirect.gather [hbm4b:s2+s12], $0x80, s13, s12, $0xb8;
	[tilespmem:$0x11E00] =	vst v63  }
0x99: {  	_ =	swait.ge [sflag:s11], $0x4000  }
.Ltmp6:
0x9a: {  	[sflag:s11] =	ssyncset.done $0x0;
	(pc) =	sbr.rel @!p0 .LBB2_13-.Ltmp6, $4  }
0x9b: {  	[sflag:s11] =	ssyncadd.s32 $0xFFFFC000  }
0x9c: {  	[hbm4b:s4+s12] =	stream.indirect.scatter [tilespmem:s14], [sflag:$0x2], $0x80, s13, s12, $0xb8;
	[tilespmem:$0x11E00] =	vst v63  }
0x9d: {  	_ =	swait.ge [sflag:s15], $0x4000  }
0x9e: {  	[sflag:s15] =	ssyncset.done $0x0  }
.LBB2_14:
0x9f: {  	[sflag:s15] =	ssyncadd.s32 $0xFFFFC000  }
.LBB2_6:
0xa0: {  	s20 =	sadd.s32 $0x7F, s20  }
0xa1: {  	s21 =	sand.u32 $0x7F, s20  }
0xa2: {  	s22 =	sshra.s32 s20, $0x1F;
	p0 =	slt.s32 s20, $0x1;
	p1 =	sne.s32 s21, $0x0  }
0xa3: {  	s31 =	sshrl.u32 s22, $0x19;
	p0 =	por !p0, !p1  }
0xa4: {  	s21 =	simm.s32 $0x1;
	s20 =	sadd.s32 s31, s20;
	p0 =	por !p0, !p0  }
0xa5: {  	s20 =	sshra.s32 s20, $0x7;
	s21 =	simm.s32 @!p0 $0x0  }
0xa6: {  	s21 =	ssub.s32 s20, s21  }
0xa7: {  	p0 =	sgt.s32 s21, $0x0  }
.Ltmp7:
0xa8: {  	_ = 	snop;
	(pc) =	sbr.rel @!p0 .LBB2_10-.Ltmp7, $2  }
0xa9: {  	_ =	sdelay $0x2  }
0xaa: {  	s20 =	simm.s32 $0x68C0  }
0xab: {  	v2 =	vld [tilespmem:s20+$0xFFFFFFC0];
	_ =	sdelay $0x4  }
0xac: {  	[tilespmem:$0x9D80] =	vst v2  }
0xad: {  	v2 =	vld [tilespmem:s20+$0xFFFFFFD0];
	_ =	sdelay $0x4  }
0xae: {  	[tilespmem:$0x9D90] =	vst v2  }
0xaf: {  	v2 =	vld [tilespmem:s20+$0xFFFFFFE0];
	_ =	sdelay $0x4  }
0xb0: {  	[tilespmem:$0x9DA0] =	vst v2  }
0xb1: {  	v2 =	vld [tilespmem:s20+$0xFFFFFFF0];
	_ =	sdelay $0x4  }
0xb2: {  	[tilespmem:$0x9DB0] =	vst v2  }
0xb3: {  	v2 =	vld [tilespmem:s20+$0x0];
	_ =	sdelay $0x4  }
0xb4: {  	[tilespmem:$0x9DC0] =	vst v2  }
0xb5: {  	v2 =	vld [tilespmem:s20+$0x10];
	_ =	sdelay $0x4  }
0xb6: {  	[tilespmem:$0x9DD0] =	vst v2  }
0xb7: {  	v2 =	vld [tilespmem:s20+$0x20];
	_ =	sdelay $0x4  }
0xb8: {  	[tilespmem:$0x9DE0] =	vst v2  }
0xb9: {  	v2 =	vld [tilespmem:s20+$0x30];
	_ =	sdelay $0x2  }
0xba: {  	p0 =	sne.s32 s21, $0x1  }
.Ltmp8:
0xbb: {  	_ = 	snop;
	(pc) =	sbr.rel @!p0 .LBB2_9-.Ltmp8, $4  }
0xbc: {  	[tilespmem:$0x9DF0] =	vst v2  }
0xbd: {  	[hbm4b:s4+s12] =	stream.indirect.scatter [tilespmem:s17], [sflag:$0x3], $0x80, s16, s12, $0xb8;
	[tilespmem:$0x11E00] =	vst v63  }
0xbe: {  	_ =	swait.ge [sflag:s18], $0x4000  }
0xbf: {  	s21 =	sadd.s32 $0xFFFFFFFF, s21;
	[sflag:s18] =	ssyncset.done $0x0  }
.LBB2_8:
0xc0: {  	p0 =	sne.s32 s21, $0x1;
	[sflag:s18] =	ssyncadd.s32 $0xFFFFC000;
	s20 =	sadd.s32 $0x80, s20  }
0xc1: {  	s21 =	sadd.s32 $0xFFFFFFFF, s21;
	v2 =	vld [tilespmem:s20+$0xFFFFFFC0];
	_ =	sdelay $0x4  }
0xc2: {  	[tilespmem:$0x9D80] =	vst v2  }
0xc3: {  	v2 =	vld [tilespmem:s20+$0xFFFFFFD0];
	_ =	sdelay $0x4  }
0xc4: {  	[tilespmem:$0x9D90] =	vst v2  }
0xc5: {  	v2 =	vld [tilespmem:s20+$0xFFFFFFE0];
	_ =	sdelay $0x4  }
0xc6: {  	[tilespmem:$0x9DA0] =	vst v2  }
0xc7: {  	v2 =	vld [tilespmem:s20+$0xFFFFFFF0];
	_ =	sdelay $0x4  }
0xc8: {  	[tilespmem:$0x9DB0] =	vst v2  }
0xc9: {  	v2 =	vld [tilespmem:s20+$0x0];
	_ =	sdelay $0x4  }
0xca: {  	[tilespmem:$0x9DC0] =	vst v2  }
0xcb: {  	v2 =	vld [tilespmem:s20+$0x10];
	_ =	sdelay $0x4  }
0xcc: {  	[tilespmem:$0x9DD0] =	vst v2  }
0xcd: {  	v2 =	vld [tilespmem:s20+$0x20];
	_ =	sdelay $0x4  }
0xce: {  	[tilespmem:$0x9DE0] =	vst v2  }
0xcf: {  	v2 =	vld [tilespmem:s20+$0x30];
	_ =	sdelay $0x3  }
.Ltmp9:
0xd0: {  	(pc) =	sbr.rel @p0 .LBB2_8-.Ltmp9, $4  }
0xd1: {  	[tilespmem:$0x9DF0] =	vst v2  }
0xd2: {  	[hbm4b:s4+s12] =	stream.indirect.scatter [tilespmem:s17], [sflag:$0x3], $0x80, s16, s12, $0xb8;
	[tilespmem:$0x11E00] =	vst v63  }
0xd3: {  	_ =	swait.ge [sflag:s18], $0x4000  }
0xd4: {  	[sflag:s18] =	ssyncset.done $0x0  }
.Ltmp10:
0xd5: {  	_ = 	snop;
	(pc) =	sbr.rel .LBB2_9-.Ltmp10, $1  }
0xd6: {  	_ =	sdelay $0x3  }
.LBB2_11:
0xd7: {  	_ =	sfence.sel $0x180000  }
0xd8: {  	[bflag:$0x0] =	sbarrier.arrive $0xFFFF  }
0xd9: {  	p0 =	sne.s32 s0, $0x0;
	_ =	strace $0x90000047  }
0xda: {  	s0 =	sadd.s32 @!p0 $0x100000, s1;
	[bflag:$0x2] =	sbarrier.arrive $0xFFFF  }
0xdb: {  	[sflag:s0] =	ssyncadd.tile.s32 @!p0 $0x1;
	_ =	shalt  }
.Lfunc_end2:
_tile_overlayer_lowered:
.L_overlay_start_2:
0xdc: {  	(tag) =	ssettag $0x2  }
0xdd: {  	s0 =	rddreg [dreg:$0x0];
	s2 =	stileid.u32  }
0xde: {  	s1 =	rddreg [dreg:$0x1];
	p0 =	sne.s32 s2, $0x0  }
0xdf: {  	s3 =	rddreg [dreg:$0x2];
	[bflag:$0x3] =	sbarrier.arrive $0xFFFF;
	s2 =	simm.s32 @!p0 $0x1C04  }
0xe0: {  	[timem:s3], [sflag:s2] =	dma.local @!p0 [hbm:s0], s1  }
0xe1: {  	s0 =	simm.s32 @!p0 $0x4  }
0xe2: {  	_ =	swait.ge @!p0 [sflag:s0], s1  }
0xe3: {  	s1 =	ssub.s32 @!p0 $0x0, s1;
	[sflag:s0] =	ssyncset.done @!p0 $0x0  }
0xe4: {  	[sflag:s0] =	ssyncadd.s32 @!p0 s1  }
0xe5: {  	[bflag:$0x3] =	sbarrier.arrive $0xFFFF  }
0xe6: {  	_ =	shalt  }

</sc_bundles>
